<compile_context>
chip_gen: v7x
topology: tpu7x:2x2x1
jax: 0.10.2.dev20260603
libtpu: 0.0.44.dev20260713+nightly
codegen_flags: <defaults>
</compile_context>

<pallas_src>
import functools

import jax
import jax.numpy as jnp
import numpy as np
from jax import lax
from jax.experimental import pallas as pl
from jax.experimental.pallas import tpu as pltpu
from jax.experimental.pallas import tpu_sc as plsc

PI = 3.141592653589793
X_MIN, X_N = 1e-05, 5000
SIGMA_MIN, SIGMA_MAX, SIGMA_N = 0.003, 2, 5000

_N = 16777216
_TC_GRID = 32
_TC_CHUNK = _N // _TC_GRID

_PAD_ROWS, _PAD_COLS = 5008, 5120
_TABLE_WORDS = _PAD_ROWS * _PAD_COLS

_FLIP_BIT = 1 << 25
_OFF_MASK = _FLIP_BIT - 1

_NC, _NS = 2, 16
_NW = _NC * _NS
_EPW = _N // _NW
_SC_CHUNK = 16384
_N_CHUNKS = _EPW // _SC_CHUNK


def _bin_kernel(x_ref, s_ref, idx_ref):
    x = x_ref[...]
    sigma = s_ref[...]
    xw = (x + PI) % (2 * PI) - PI
    xl = jnp.log(jnp.abs(xw) / PI + 1e-10)
    xi = (xl + np.float32(-np.log(X_MIN))) * np.float32(X_N / -np.log(X_MIN))
    xi = jnp.round(jnp.clip(xi, 0, X_N)).astype(jnp.int32)
    sl = jnp.log(sigma / PI)
    si = ((sl + np.float32(-np.log(SIGMA_MIN)))
          * np.float32(SIGMA_N / (np.log(SIGMA_MAX) - np.log(SIGMA_MIN))))
    si = jnp.round(jnp.clip(si, 0, SIGMA_N)).astype(jnp.int32)
    xi = jnp.where(xw == 0.0, jnp.int32(X_N + 1), xi)
    off = (((si >> 3) * (_PAD_COLS // 128) + (xi >> 7)) * 1024
           + ((si & 7) << 7) + (xi & 127))
    flip = jnp.where(xw > 0.0, jnp.int32(_FLIP_BIT), jnp.int32(0))
    idx_ref[...] = off | flip


def _binning(x, sigma):
    return pl.pallas_call(
        _bin_kernel,
        grid=(_TC_GRID,),
        in_specs=[
            pl.BlockSpec((_TC_CHUNK,), lambda i: (i,)),
            pl.BlockSpec((_TC_CHUNK,), lambda i: (i,)),
        ],
        out_specs=pl.BlockSpec((_TC_CHUNK,), lambda i: (i,)),
        out_shape=jax.ShapeDtypeStruct((_N,), jnp.int32),
    )(x, sigma)


def _sc_gather_body(table_ref, idx_hbm, out_hbm,
                    raw0, raw1, sidx0, sidx1, vals0, vals1,
                    sin0, sin1, sg0, sg1, sout0, sout1):
    raws, sidxs, vals = (raw0, raw1), (sidx0, sidx1), (vals0, vals1)
    sins, sgs, souts = (sin0, sin1), (sg0, sg1), (sout0, sout1)
    wid = lax.axis_index("s") * _NC + lax.axis_index("c")
    base = wid * _EPW

    def start_in(c, b):
        o = base + c * _SC_CHUNK
        pltpu.async_copy(idx_hbm.at[pl.ds(o, _SC_CHUNK)], raws[b], sins[b])

    def wait_in(b):
        pltpu.make_async_copy(idx_hbm.at[pl.ds(base, _SC_CHUNK)], raws[b],
                              sins[b]).wait()

    def strip(b):
        rv, sv = raws[b], sidxs[b]

        def sbody(t, _):
            for u in range(8):
                s = pl.ds((t * 8 + u) * 16, 16)
                sv[s] = rv[s] & _OFF_MASK
            return ()

        lax.fori_loop(0, _SC_CHUNK // 128, sbody, ())

    _H = _SC_CHUNK // 2

    def gather_start(b):
        pltpu.async_copy(table_ref.at[sidxs[b].at[pl.ds(0, _H)]],
                         vals[b].at[pl.ds(0, _H)], sgs[b])
        pltpu.async_copy(table_ref.at[sidxs[b].at[pl.ds(_H, _H)]],
                         vals[b].at[pl.ds(_H, _H)], sgs[b])

    def gather_wait(b):
        pltpu.make_async_copy(table_ref.at[sidxs[b].at[pl.ds(0, _H)]],
                              vals[b].at[pl.ds(0, _H)], sgs[b]).wait()
        pltpu.make_async_copy(table_ref.at[sidxs[b].at[pl.ds(_H, _H)]],
                              vals[b].at[pl.ds(_H, _H)], sgs[b]).wait()

    def out_start(c, b):
        o = base + c * _SC_CHUNK
        pltpu.async_copy(vals[b], out_hbm.at[pl.ds(o, _SC_CHUNK)], souts[b])

    def out_wait(b):
        pltpu.make_async_copy(vals[b], out_hbm.at[pl.ds(base, _SC_CHUNK)],
                              souts[b]).wait()

    def apply_sign(b):
        vv, rv = vals[b], raws[b]

        def mbody(t, _):
            for u in range(8):
                s = pl.ds((t * 8 + u) * 16, 16)
                mask = (rv[s] & _FLIP_BIT) << 6
                bits = lax.bitcast_convert_type(vv[s], jnp.int32) ^ mask
                vv[s] = lax.bitcast_convert_type(bits, jnp.float32)
            return ()

        lax.fori_loop(0, _SC_CHUNK // 128, mbody, ())

    start_in(0, 0)
    wait_in(0)
    strip(0)
    gather_start(0)
    start_in(1, 1)

    def loop_body(i, _):
        for b in (0, 1):
            c = 2 * i + b
            nb = 1 - b

            @pl.when(jnp.logical_and(c + 1 < _N_CHUNKS, c >= 1))
            def _():
                out_wait(nb)

            @pl.when(c + 1 < _N_CHUNKS)
            def _():
                wait_in(nb)
                strip(nb)
                gather_start(nb)

            gather_wait(b)
            apply_sign(b)
            out_start(c, b)

            @pl.when(c + 2 < _N_CHUNKS)
            def _():
                start_in(c + 2, b)
        return ()

    lax.fori_loop(0, _N_CHUNKS // 2, loop_body, ())
    out_wait(0)
    out_wait(1)


@functools.lru_cache(maxsize=None)
def _make_sc_gather():
    return pl.kernel(
        _sc_gather_body,
        out_type=jax.ShapeDtypeStruct((_N,), jnp.float32),
        mesh=plsc.VectorSubcoreMesh(core_axis_name="c", subcore_axis_name="s",
                                    num_cores=_NC, num_subcores=_NS),
        scratch_types=[
            pltpu.VMEM((_SC_CHUNK,), jnp.int32),
            pltpu.VMEM((_SC_CHUNK,), jnp.int32),
            pltpu.VMEM((_SC_CHUNK,), jnp.int32),
            pltpu.VMEM((_SC_CHUNK,), jnp.int32),
            pltpu.VMEM((_SC_CHUNK,), jnp.float32),
            pltpu.VMEM((_SC_CHUNK,), jnp.float32),
            pltpu.SemaphoreType.DMA,
            pltpu.SemaphoreType.DMA,
            pltpu.SemaphoreType.DMA,
            pltpu.SemaphoreType.DMA,
            pltpu.SemaphoreType.DMA,
            pltpu.SemaphoreType.DMA,
        ],
    )


def kernel(x, sigma, score_table):
    idx = _binning(x, sigma)
    t4 = jnp.pad(score_table,
                 ((0, _PAD_ROWS - (SIGMA_N + 1)),
                  (0, _PAD_COLS - (X_N + 1))))
    table_flat = (t4.reshape(_PAD_ROWS // 8, 8, _PAD_COLS // 128, 128)
                  .transpose(0, 2, 1, 3).reshape(-1))
    return _make_sc_gather()(table_flat, idx)

# --- scband reference (transcript-rebuilt; emitter-appended) ---
"""Pipeline reference for scband-so2-schedule-12043088298459 (READ-ONLY COPY).

The authoritative reference and input builder live on the scoring server;
editing this copy changes nothing except your own understanding.
"""

import jax, jax.numpy as jnp
import numpy as np

PI = 3.141592653589793
X_MIN, X_N = 1e-05, 5000
SIGMA_MIN, SIGMA_MAX, SIGMA_N = 0.003, 2, 5000


def setup_inputs(seed: int = 0) -> dict:
    key = jax.random.key(seed)
    k1, k2, k3 = jax.random.split(key, 3)
    N = 16777216
    # torsion angles (wrapped into [-pi, pi) inside reference)
    x = jax.random.normal(k1, (N,), dtype=jnp.float32) * PI
    # noise levels, uniform over the valid sigma range [SIGMA_MIN*PI, SIGMA_MAX*PI]
    sigma = jax.random.uniform(k2, (N,), dtype=jnp.float32,
                               minval=SIGMA_MIN * PI, maxval=SIGMA_MAX * PI)
    # precomputed wrapped-Gaussian score table (buffer); random stand-in with same shape/dtype
    score_table = jax.random.normal(k3, (SIGMA_N + 1, X_N + 1), dtype=jnp.float32)
    return {"x": x, "sigma": sigma, "score_table": score_table}


def reference(x, sigma, score_table):
    # SO2Schedule.score: log-spaced histogram binning of |x| and sigma, then 2D table gather
    xw = (x + PI) % (2 * PI) - PI
    sign = jnp.sign(xw)
    xl = jnp.log(jnp.abs(xw) / PI + 1e-10)
    xi = (xl - np.log(X_MIN)) / (0.0 - np.log(X_MIN)) * X_N
    xi = jnp.round(jnp.clip(xi, 0, X_N)).astype(jnp.int32)
    sl = jnp.log(sigma / PI)
    si = (sl - np.log(SIGMA_MIN)) / (np.log(SIGMA_MAX) - np.log(SIGMA_MIN)) * SIGMA_N
    si = jnp.round(jnp.clip(si, 0, SIGMA_N)).astype(jnp.int32)
    return -sign * score_table[si, xi]

if __name__ == "__main__":
    import jax
    _d = setup_inputs()
    print(jax.jit(kernel)(*tuple(_d.values())))

</pallas_src>

<mosaic_0001>
#map = affine_map<(d0, d1) -> (0)>
module attributes {stable_mosaic.version = 14 : i64} {
  func.func @_sc_gather_body(%arg0: i32, %arg1: i32, %arg2: memref<25640960xf32, #tpu.memory_space<hbm>>, %arg3: memref<16777216xi32, #tpu.memory_space<hbm>>, %arg4: memref<16777216xf32, #tpu.memory_space<hbm>>, %arg5: memref<16384xi32, #tpu.memory_space<vmem>>, %arg6: memref<16384xi32, #tpu.memory_space<vmem>>, %arg7: memref<16384xi32, #tpu.memory_space<vmem>>, %arg8: memref<16384xi32, #tpu.memory_space<vmem>>, %arg9: memref<16384xf32, #tpu.memory_space<vmem>>, %arg10: memref<16384xf32, #tpu.memory_space<vmem>>, %arg11: memref<!tpu.dma_semaphore, #tpu.memory_space<semaphore_mem>>, %arg12: memref<!tpu.dma_semaphore, #tpu.memory_space<semaphore_mem>>, %arg13: memref<!tpu.dma_semaphore, #tpu.memory_space<semaphore_mem>>, %arg14: memref<!tpu.dma_semaphore, #tpu.memory_space<semaphore_mem>>, %arg15: memref<!tpu.dma_semaphore, #tpu.memory_space<semaphore_mem>>, %arg16: memref<!tpu.dma_semaphore, #tpu.memory_space<semaphore_mem>>) attributes {dimension_semantics = [#tpu.dimension_semantics<core_parallel>, #tpu.dimension_semantics<subcore_parallel>], iteration_bounds = array<i64: 2, 16>, scalar_prefetch = 0 : i64, scratch_operands = 12 : i64, tpu.core_type = #tpu.core_type<sc_vector_subcore>, window_params = [{transform_indices = #map}, {transform_indices = #map}, {transform_indices = #map}]} {
    %mul3A = arith.constant 2 : i32
    %mul3A_0 = arith.muli %arg1, %mul3A : i32
    %add3A = arith.addi %mul3A_0, %arg0 : i32
    %mul3A_1 = arith.constant 524288 : i32
    %mul3A_2 = arith.muli %add3A, %mul3A_1 : i32
    %add3A_3 = arith.constant 0 : i32
    %add3A_4 = arith.addi %mul3A_2, %add3A_3 : i32
    %dma_start3A = tpu.memref_slice %arg3[%add3A_4] : memref<16777216xi32, #tpu.memory_space<hbm>> -> memref<16384xi32, #tpu.memory_space<hbm>>
    %dma_start3A_5 = tpu.memref_slice %arg3[%add3A_4] : memref<16777216xi32, #tpu.memory_space<hbm>> -> memref<16384xi32, #tpu.memory_space<hbm>>
    tpu.enqueue_dma source(%dma_start3A_5 : memref<16384xi32, #tpu.memory_space<hbm>>) target(%arg5 : memref<16384xi32, #tpu.memory_space<vmem>>) target_semaphore(%arg11 : memref<!tpu.dma_semaphore, #tpu.memory_space<semaphore_mem>>)
    %dma_wait3A = tpu.memref_slice %arg3[%mul3A_2] : memref<16777216xi32, #tpu.memory_space<hbm>> -> memref<16384xi32, #tpu.memory_space<hbm>>
    %dma_wait3A_6 = tpu.memref_slice %arg3[%mul3A_2] : memref<16777216xi32, #tpu.memory_space<hbm>> -> memref<16384xi32, #tpu.memory_space<hbm>>
    tpu.wait_dma2 semaphore(%arg11 : memref<!tpu.dma_semaphore, #tpu.memory_space<semaphore_mem>>) src(%dma_wait3A_6 : memref<16384xi32, #tpu.memory_space<hbm>>) dst(%arg5 : memref<16384xi32, #tpu.memory_space<vmem>>)
    %scan3A = arith.constant 0 : i32
    %scan3A_7 = arith.constant 128 : i32
    %scan3A_8 = arith.addi %scan3A, %scan3A_7 : i32
    %scan3A_9 = arith.constant 1 : i32
    scf.for %scan3A_36 = %scan3A to %scan3A_8 step %scan3A_9  : i32 {
      %mul3A_37 = arith.constant 8 : i32
      %mul3A_38 = arith.muli %scan3A_36, %mul3A_37 : i32
      %add3A_39 = arith.constant 0 : i32
      %add3A_40 = arith.addi %mul3A_38, %add3A_39 : i32
      %mul3A_41 = arith.constant 16 : i32
      %mul3A_42 = arith.muli %add3A_40, %mul3A_41 : i32
      %get3A = arith.index_cast %mul3A_42 : i32 to index
      %get3A_43 = tpu.vector_load %arg5[%get3A] {strides = array<i32>} : memref<16384xi32, #tpu.memory_space<vmem>>, vector<16xi32>,
      %get3A_44 = vector.shape_cast %get3A_43 : vector<16xi32> to vector<16xi32>
      %and3A = arith.constant 33554431 : i32
      %and3A_45 = vector.broadcast %and3A : i32 to vector<16xi32>
      %and3A_46 = arith.andi %get3A_44, %and3A_45 : vector<16xi32>
      %swap3A = arith.index_cast %mul3A_42 : i32 to index
      %swap3A_47 = tpu.vector_load %arg7[%swap3A] {strides = array<i32>} : memref<16384xi32, #tpu.memory_space<vmem>>, vector<16xi32>,
      %swap3A_48 = vector.shape_cast %swap3A_47 : vector<16xi32> to vector<16xi32>
      %swap3A_49 = vector.shape_cast %and3A_46 : vector<16xi32> to vector<16xi32>
      tpu.vector_store %arg7[%swap3A], %swap3A_49 {strides = array<i32>} : memref<16384xi32, #tpu.memory_space<vmem>>, vector<16xi32>,
      %mul3A_50 = arith.constant 8 : i32
      %mul3A_51 = arith.muli %scan3A_36, %mul3A_50 : i32
      %add3A_52 = arith.constant 1 : i32
      %add3A_53 = arith.addi %mul3A_51, %add3A_52 : i32
      %mul3A_54 = arith.constant 16 : i32
      %mul3A_55 = arith.muli %add3A_53, %mul3A_54 : i32
      %get3A_56 = arith.index_cast %mul3A_55 : i32 to index
      %get3A_57 = tpu.vector_load %arg5[%get3A_56] {strides = array<i32>} : memref<16384xi32, #tpu.memory_space<vmem>>, vector<16xi32>,
      %get3A_58 = vector.shape_cast %get3A_57 : vector<16xi32> to vector<16xi32>
      %and3A_59 = arith.constant 33554431 : i32
      %and3A_60 = vector.broadcast %and3A_59 : i32 to vector<16xi32>
      %and3A_61 = arith.andi %get3A_58, %and3A_60 : vector<16xi32>
      %swap3A_62 = arith.index_cast %mul3A_55 : i32 to index
      %swap3A_63 = tpu.vector_load %arg7[%swap3A_62] {strides = array<i32>} : memref<16384xi32, #tpu.memory_space<vmem>>, vector<16xi32>,
      %swap3A_64 = vector.shape_cast %swap3A_63 : vector<16xi32> to vector<16xi32>
      %swap3A_65 = vector.shape_cast %and3A_61 : vector<16xi32> to vector<16xi32>
      tpu.vector_store %arg7[%swap3A_62], %swap3A_65 {strides = array<i32>} : memref<16384xi32, #tpu.memory_space<vmem>>, vector<16xi32>,
      %mul3A_66 = arith.constant 8 : i32
      %mul3A_67 = arith.muli %scan3A_36, %mul3A_66 : i32
      %add3A_68 = arith.constant 2 : i32
      %add3A_69 = arith.addi %mul3A_67, %add3A_68 : i32
      %mul3A_70 = arith.constant 16 : i32
      %mul3A_71 = arith.muli %add3A_69, %mul3A_70 : i32
      %get3A_72 = arith.index_cast %mul3A_71 : i32 to index
      %get3A_73 = tpu.vector_load %arg5[%get3A_72] {strides = array<i32>} : memref<16384xi32, #tpu.memory_space<vmem>>, vector<16xi32>,
      %get3A_74 = vector.shape_cast %get3A_73 : vector<16xi32> to vector<16xi32>
      %and3A_75 = arith.constant 33554431 : i32
      %and3A_76 = vector.broadcast %and3A_75 : i32 to vector<16xi32>
      %and3A_77 = arith.andi %get3A_74, %and3A_76 : vector<16xi32>
      %swap3A_78 = arith.index_cast %mul3A_71 : i32 to index
      %swap3A_79 = tpu.vector_load %arg7[%swap3A_78] {strides = array<i32>} : memref<16384xi32, #tpu.memory_space<vmem>>, vector<16xi32>,
      %swap3A_80 = vector.shape_cast %swap3A_79 : vector<16xi32> to vector<16xi32>
      %swap3A_81 = vector.shape_cast %and3A_77 : vector<16xi32> to vector<16xi32>
      tpu.vector_store %arg7[%swap3A_78], %swap3A_81 {strides = array<i32>} : memref<16384xi32, #tpu.memory_space<vmem>>, vector<16xi32>,
      %mul3A_82 = arith.constant 8 : i32
      %mul3A_83 = arith.muli %scan3A_36, %mul3A_82 : i32
      %add3A_84 = arith.constant 3 : i32
      %add3A_85 = arith.addi %mul3A_83, %add3A_84 : i32
      %mul3A_86 = arith.constant 16 : i32
      %mul3A_87 = arith.muli %add3A_85, %mul3A_86 : i32
      %get3A_88 = arith.index_cast %mul3A_87 : i32 to index
      %get3A_89 = tpu.vector_load %arg5[%get3A_88] {strides = array<i32>} : memref<16384xi32, #tpu.memory_space<vmem>>, vector<16xi32>,
      %get3A_90 = vector.shape_cast %get3A_89 : vector<16xi32> to vector<16xi32>
      %and3A_91 = arith.constant 33554431 : i32
      %and3A_92 = vector.broadcast %and3A_91 : i32 to vector<16xi32>
      %and3A_93 = arith.andi %get3A_90, %and3A_92 : vector<16xi32>
      %swap3A_94 = arith.index_cast %mul3A_87 : i32 to index
      %swap3A_95 = tpu.vector_load %arg7[%swap3A_94] {strides = array<i32>} : memref<16384xi32, #tpu.memory_space<vmem>>, vector<16xi32>,
      %swap3A_96 = vector.shape_cast %swap3A_95 : vector<16xi32> to vector<16xi32>
      %swap3A_97 = vector.shape_cast %and3A_93 : vector<16xi32> to vector<16xi32>
      tpu.vector_store %arg7[%swap3A_94], %swap3A_97 {strides = array<i32>} : memref<16384xi32, #tpu.memory_space<vmem>>, vector<16xi32>,
      %mul3A_98 = arith.constant 8 : i32
      %mul3A_99 = arith.muli %scan3A_36, %mul3A_98 : i32
      %add3A_100 = arith.constant 4 : i32
      %add3A_101 = arith.addi %mul3A_99, %add3A_100 : i32
      %mul3A_102 = arith.constant 16 : i32
      %mul3A_103 = arith.muli %add3A_101, %mul3A_102 : i32
      %get3A_104 = arith.index_cast %mul3A_103 : i32 to index
      %get3A_105 = tpu.vector_load %arg5[%get3A_104] {strides = array<i32>} : memref<16384xi32, #tpu.memory_space<vmem>>, vector<16xi32>,
      %get3A_106 = vector.shape_cast %get3A_105 : vector<16xi32> to vector<16xi32>
      %and3A_107 = arith.constant 33554431 : i32
      %and3A_108 = vector.broadcast %and3A_107 : i32 to vector<16xi32>
      %and3A_109 = arith.andi %get3A_106, %and3A_108 : vector<16xi32>
      %swap3A_110 = arith.index_cast %mul3A_103 : i32 to index
      %swap3A_111 = tpu.vector_load %arg7[%swap3A_110] {strides = array<i32>} : memref<16384xi32, #tpu.memory_space<vmem>>, vector<16xi32>,
      %swap3A_112 = vector.shape_cast %swap3A_111 : vector<16xi32> to vector<16xi32>
      %swap3A_113 = vector.shape_cast %and3A_109 : vector<16xi32> to vector<16xi32>
      tpu.vector_store %arg7[%swap3A_110], %swap3A_113 {strides = array<i32>} : memref<16384xi32, #tpu.memory_space<vmem>>, vector<16xi32>,
      %mul3A_114 = arith.constant 8 : i32
      %mul3A_115 = arith.muli %scan3A_36, %mul3A_114 : i32
      %add3A_116 = arith.constant 5 : i32
      %add3A_117 = arith.addi %mul3A_115, %add3A_116 : i32
      %mul3A_118 = arith.constant 16 : i32
      %mul3A_119 = arith.muli %add3A_117, %mul3A_118 : i32
      %get3A_120 = arith.index_cast %mul3A_119 : i32 to index
      %get3A_121 = tpu.vector_load %arg5[%get3A_120] {strides = array<i32>} : memref<16384xi32, #tpu.memory_space<vmem>>, vector<16xi32>,
      %get3A_122 = vector.shape_cast %get3A_121 : vector<16xi32> to vector<16xi32>
      %and3A_123 = arith.constant 33554431 : i32
      %and3A_124 = vector.broadcast %and3A_123 : i32 to vector<16xi32>
      %and3A_125 = arith.andi %get3A_122, %and3A_124 : vector<16xi32>
      %swap3A_126 = arith.index_cast %mul3A_119 : i32 to index
      %swap3A_127 = tpu.vector_load %arg7[%swap3A_126] {strides = array<i32>} : memref<16384xi32, #tpu.memory_space<vmem>>, vector<16xi32>,
      %swap3A_128 = vector.shape_cast %swap3A_127 : vector<16xi32> to vector<16xi32>
      %swap3A_129 = vector.shape_cast %and3A_125 : vector<16xi32> to vector<16xi32>
      tpu.vector_store %arg7[%swap3A_126], %swap3A_129 {strides = array<i32>} : memref<16384xi32, #tpu.memory_space<vmem>>, vector<16xi32>,
      %mul3A_130 = arith.constant 8 : i32
      %mul3A_131 = arith.muli %scan3A_36, %mul3A_130 : i32
      %add3A_132 = arith.constant 6 : i32
      %add3A_133 = arith.addi %mul3A_131, %add3A_132 : i32
      %mul3A_134 = arith.constant 16 : i32
      %mul3A_135 = arith.muli %add3A_133, %mul3A_134 : i32
      %get3A_136 = arith.index_cast %mul3A_135 : i32 to index
      %get3A_137 = tpu.vector_load %arg5[%get3A_136] {strides = array<i32>} : memref<16384xi32, #tpu.memory_space<vmem>>, vector<16xi32>,
      %get3A_138 = vector.shape_cast %get3A_137 : vector<16xi32> to vector<16xi32>
      %and3A_139 = arith.constant 33554431 : i32
      %and3A_140 = vector.broadcast %and3A_139 : i32 to vector<16xi32>
      %and3A_141 = arith.andi %get3A_138, %and3A_140 : vector<16xi32>
      %swap3A_142 = arith.index_cast %mul3A_135 : i32 to index
      %swap3A_143 = tpu.vector_load %arg7[%swap3A_142] {strides = array<i32>} : memref<16384xi32, #tpu.memory_space<vmem>>, vector<16xi32>,
      %swap3A_144 = vector.shape_cast %swap3A_143 : vector<16xi32> to vector<16xi32>
      %swap3A_145 = vector.shape_cast %and3A_141 : vector<16xi32> to vector<16xi32>
      tpu.vector_store %arg7[%swap3A_142], %swap3A_145 {strides = array<i32>} : memref<16384xi32, #tpu.memory_space<vmem>>, vector<16xi32>,
      %mul3A_146 = arith.constant 8 : i32
      %mul3A_147 = arith.muli %scan3A_36, %mul3A_146 : i32
      %add3A_148 = arith.constant 7 : i32
      %add3A_149 = arith.addi %mul3A_147, %add3A_148 : i32
      %mul3A_150 = arith.constant 16 : i32
      %mul3A_151 = arith.muli %add3A_149, %mul3A_150 : i32
      %get3A_152 = arith.index_cast %mul3A_151 : i32 to index
      %get3A_153 = tpu.vector_load %arg5[%get3A_152] {strides = array<i32>} : memref<16384xi32, #tpu.memory_space<vmem>>, vector<16xi32>,
      %get3A_154 = vector.shape_cast %get3A_153 : vector<16xi32> to vector<16xi32>
      %and3A_155 = arith.constant 33554431 : i32
      %and3A_156 = vector.broadcast %and3A_155 : i32 to vector<16xi32>
      %and3A_157 = arith.andi %get3A_154, %and3A_156 : vector<16xi32>
      %swap3A_158 = arith.index_cast %mul3A_151 : i32 to index
      %swap3A_159 = tpu.vector_load %arg7[%swap3A_158] {strides = array<i32>} : memref<16384xi32, #tpu.memory_space<vmem>>, vector<16xi32>,
      %swap3A_160 = vector.shape_cast %swap3A_159 : vector<16xi32> to vector<16xi32>
      %swap3A_161 = vector.shape_cast %and3A_157 : vector<16xi32> to vector<16xi32>
      tpu.vector_store %arg7[%swap3A_158], %swap3A_161 {strides = array<i32>} : memref<16384xi32, #tpu.memory_space<vmem>>, vector<16xi32>,
    }
    %scan3A_10 = arith.constant 128 : i32
    %dma_start3A_11 = arith.constant 0 : i32
    %dma_start3A_12 = tpu.memref_slice %arg9[%dma_start3A_11] : memref<16384xf32, #tpu.memory_space<vmem>> -> memref<8192xf32, #tpu.memory_space<vmem>>
    %dma_start3A_13 = arith.constant 0 : i32
    %dma_start3A_14 = tpu.memref_slice %arg7[%dma_start3A_13] : memref<16384xi32, #tpu.memory_space<vmem>> -> memref<8192xi32, #tpu.memory_space<vmem>>
    %dma_start3A_15 = arith.constant 0 : i32
    %dma_start3A_16 = tpu.memref_slice %arg2[%dma_start3A_15] : memref<25640960xf32, #tpu.memory_space<hbm>> -> memref<25640960xf32, #tpu.memory_space<hbm>>
    tpu.enqueue_indirect_dma source(%dma_start3A_16 : memref<25640960xf32, #tpu.memory_space<hbm>>) target(%dma_start3A_12 : memref<8192xf32, #tpu.memory_space<vmem>>) offsets(%dma_start3A_14 : memref<8192xi32, #tpu.memory_space<vmem>>) semaphore(%arg13 : memref<!tpu.dma_semaphore, #tpu.memory_space<semaphore_mem>>)
    %dma_start3A_17 = arith.constant 8192 : i32
    %dma_start3A_18 = tpu.memref_slice %arg9[%dma_start3A_17] : memref<16384xf32, #tpu.memory_space<vmem>> -> memref<8192xf32, #tpu.memory_space<vmem>>
    %dma_start3A_19 = arith.constant 8192 : i32
    %dma_start3A_20 = tpu.memref_slice %arg7[%dma_start3A_19] : memref<16384xi32, #tpu.memory_space<vmem>> -> memref<8192xi32, #tpu.memory_space<vmem>>
    %dma_start3A_21 = arith.constant 0 : i32
    %dma_start3A_22 = tpu.memref_slice %arg2[%dma_start3A_21] : memref<25640960xf32, #tpu.memory_space<hbm>> -> memref<25640960xf32, #tpu.memory_space<hbm>>
    tpu.enqueue_indirect_dma source(%dma_start3A_22 : memref<25640960xf32, #tpu.memory_space<hbm>>) target(%dma_start3A_18 : memref<8192xf32, #tpu.memory_space<vmem>>) offsets(%dma_start3A_20 : memref<8192xi32, #tpu.memory_space<vmem>>) semaphore(%arg13 : memref<!tpu.dma_semaphore, #tpu.memory_space<semaphore_mem>>)
    %add3A_23 = arith.constant 16384 : i32
    %add3A_24 = arith.addi %mul3A_2, %add3A_23 : i32
    %dma_start3A_25 = tpu.memref_slice %arg3[%add3A_24] : memref<16777216xi32, #tpu.memory_space<hbm>> -> memref<16384xi32, #tpu.memory_space<hbm>>
    %dma_start3A_26 = tpu.memref_slice %arg3[%add3A_24] : memref<16777216xi32, #tpu.memory_space<hbm>> -> memref<16384xi32, #tpu.memory_space<hbm>>
    tpu.enqueue_dma source(%dma_start3A_26 : memref<16384xi32, #tpu.memory_space<hbm>>) target(%arg6 : memref<16384xi32, #tpu.memory_space<vmem>>) target_semaphore(%arg12 : memref<!tpu.dma_semaphore, #tpu.memory_space<semaphore_mem>>)
    %scan3A_27 = arith.constant 0 : i32
    %scan3A_28 = arith.constant 16 : i32
    %scan3A_29 = arith.addi %scan3A_27, %scan3A_28 : i32
    %scan3A_30 = arith.constant 1 : i32
    scf.for %scan3A_36 = %scan3A_27 to %scan3A_29 step %scan3A_30  : i32 {
      %mul3A_37 = arith.constant 2 : i32
      %mul3A_38 = arith.muli %mul3A_37, %scan3A_36 : i32
      %add3A_39 = arith.constant 0 : i32
      %add3A_40 = arith.addi %mul3A_38, %add3A_39 : i32
      %add3A_41 = arith.constant 1 : i32
      %add3A_42 = arith.addi %add3A_40, %add3A_41 : i32
      %lt3A = arith.constant 32 : i32
      %lt3A_43 = arith.cmpi slt, %add3A_42, %lt3A : i32
      %ge3A = arith.constant 1 : i32
      %ge3A_44 = arith.cmpi sge, %add3A_40, %ge3A : i32
      %and3A = arith.andi %lt3A_43, %ge3A_44 : i1
      %convert_element_type3A = arith.extui %and3A : i1 to i32
      %cond3A = arith.constant 0 : i32
      %cond3A_45 = arith.cmpi ne, %convert_element_type3A, %cond3A : i32
      scf.if %cond3A_45 {
        %dma_wait3A_132 = tpu.memref_slice %arg4[%mul3A_2] : memref<16777216xf32, #tpu.memory_space<hbm>> -> memref<16384xf32, #tpu.memory_space<hbm>>
        %dma_wait3A_133 = tpu.memref_slice %arg4[%mul3A_2] : memref<16777216xf32, #tpu.memory_space<hbm>> -> memref<16384xf32, #tpu.memory_space<hbm>>
        tpu.wait_dma2 semaphore(%arg16 : memref<!tpu.dma_semaphore, #tpu.memory_space<semaphore_mem>>) src(%arg10 : memref<16384xf32, #tpu.memory_space<vmem>>) dst(%dma_wait3A_133 : memref<16384xf32, #tpu.memory_space<hbm>>)
      } else {
      }
      %add3A_46 = arith.constant 1 : i32
      %add3A_47 = arith.addi %add3A_40, %add3A_46 : i32
      %lt3A_48 = arith.constant 32 : i32
      %lt3A_49 = arith.cmpi slt, %add3A_47, %lt3A_48 : i32
      %convert_element_type3A_50 = arith.extui %lt3A_49 : i1 to i32
      %cond3A_51 = arith.constant 0 : i32
      %cond3A_52 = arith.cmpi ne, %convert_element_type3A_50, %cond3A_51 : i32
      scf.if %cond3A_52 {
        %dma_wait3A_132 = tpu.memref_slice %arg3[%mul3A_2] : memref<16777216xi32, #tpu.memory_space<hbm>> -> memref<16384xi32, #tpu.memory_space<hbm>>
        %dma_wait3A_133 = tpu.memref_slice %arg3[%mul3A_2] : memref<16777216xi32, #tpu.memory_space<hbm>> -> memref<16384xi32, #tpu.memory_space<hbm>>
        tpu.wait_dma2 semaphore(%arg12 : memref<!tpu.dma_semaphore, #tpu.memory_space<semaphore_mem>>) src(%dma_wait3A_133 : memref<16384xi32, #tpu.memory_space<hbm>>) dst(%arg6 : memref<16384xi32, #tpu.memory_space<vmem>>)
        %scan3A_134 = arith.constant 0 : i32
        %scan3A_135 = arith.constant 128 : i32
        %scan3A_136 = arith.addi %scan3A_134, %scan3A_135 : i32
        %scan3A_137 = arith.constant 1 : i32
        scf.for %scan3A_151 = %scan3A_134 to %scan3A_136 step %scan3A_137  : i32 {
          %mul3A_152 = arith.constant 8 : i32
          %mul3A_153 = arith.muli %scan3A_151, %mul3A_152 : i32
          %add3A_154 = arith.constant 0 : i32
          %add3A_155 = arith.addi %mul3A_153, %add3A_154 : i32
          %mul3A_156 = arith.constant 16 : i32
          %mul3A_157 = arith.muli %add3A_155, %mul3A_156 : i32
          %get3A = arith.index_cast %mul3A_157 : i32 to index
          %get3A_158 = tpu.vector_load %arg6[%get3A] {strides = array<i32>} : memref<16384xi32, #tpu.memory_space<vmem>>, vector<16xi32>,
          %get3A_159 = vector.shape_cast %get3A_158 : vector<16xi32> to vector<16xi32>
          %and3A_160 = arith.constant 33554431 : i32
          %and3A_161 = vector.broadcast %and3A_160 : i32 to vector<16xi32>
          %and3A_162 = arith.andi %get3A_159, %and3A_161 : vector<16xi32>
          %swap3A = arith.index_cast %mul3A_157 : i32 to index
          %swap3A_163 = tpu.vector_load %arg8[%swap3A] {strides = array<i32>} : memref<16384xi32, #tpu.memory_space<vmem>>, vector<16xi32>,
          %swap3A_164 = vector.shape_cast %swap3A_163 : vector<16xi32> to vector<16xi32>
          %swap3A_165 = vector.shape_cast %and3A_162 : vector<16xi32> to vector<16xi32>
          tpu.vector_store %arg8[%swap3A], %swap3A_165 {strides = array<i32>} : memref<16384xi32, #tpu.memory_space<vmem>>, vector<16xi32>,
          %mul3A_166 = arith.constant 8 : i32
          %mul3A_167 = arith.muli %scan3A_151, %mul3A_166 : i32
          %add3A_168 = arith.constant 1 : i32
          %add3A_169 = arith.addi %mul3A_167, %add3A_168 : i32
          %mul3A_170 = arith.constant 16 : i32
          %mul3A_171 = arith.muli %add3A_169, %mul3A_170 : i32
          %get3A_172 = arith.index_cast %mul3A_171 : i32 to index
          %get3A_173 = tpu.vector_load %arg6[%get3A_172] {strides = array<i32>} : memref<16384xi32, #tpu.memory_space<vmem>>, vector<16xi32>,
          %get3A_174 = vector.shape_cast %get3A_173 : vector<16xi32> to vector<16xi32>
          %and3A_175 = arith.constant 33554431 : i32
          %and3A_176 = vector.broadcast %and3A_175 : i32 to vector<16xi32>
          %and3A_177 = arith.andi %get3A_174, %and3A_176 : vector<16xi32>
          %swap3A_178 = arith.index_cast %mul3A_171 : i32 to index
          %swap3A_179 = tpu.vector_load %arg8[%swap3A_178] {strides = array<i32>} : memref<16384xi32, #tpu.memory_space<vmem>>, vector<16xi32>,
          %swap3A_180 = vector.shape_cast %swap3A_179 : vector<16xi32> to vector<16xi32>
          %swap3A_181 = vector.shape_cast %and3A_177 : vector<16xi32> to vector<16xi32>
          tpu.vector_store %arg8[%swap3A_178], %swap3A_181 {strides = array<i32>} : memref<16384xi32, #tpu.memory_space<vmem>>, vector<16xi32>,
          %mul3A_182 = arith.constant 8 : i32
          %mul3A_183 = arith.muli %scan3A_151, %mul3A_182 : i32
          %add3A_184 = arith.constant 2 : i32
          %add3A_185 = arith.addi %mul3A_183, %add3A_184 : i32
          %mul3A_186 = arith.constant 16 : i32
          %mul3A_187 = arith.muli %add3A_185, %mul3A_186 : i32
          %get3A_188 = arith.index_cast %mul3A_187 : i32 to index
          %get3A_189 = tpu.vector_load %arg6[%get3A_188] {strides = array<i32>} : memref<16384xi32, #tpu.memory_space<vmem>>, vector<16xi32>,
          %get3A_190 = vector.shape_cast %get3A_189 : vector<16xi32> to vector<16xi32>
          %and3A_191 = arith.constant 33554431 : i32
          %and3A_192 = vector.broadcast %and3A_191 : i32 to vector<16xi32>
          %and3A_193 = arith.andi %get3A_190, %and3A_192 : vector<16xi32>
          %swap3A_194 = arith.index_cast %mul3A_187 : i32 to index
          %swap3A_195 = tpu.vector_load %arg8[%swap3A_194] {strides = array<i32>} : memref<16384xi32, #tpu.memory_space<vmem>>, vector<16xi32>,
          %swap3A_196 = vector.shape_cast %swap3A_195 : vector<16xi32> to vector<16xi32>
          %swap3A_197 = vector.shape_cast %and3A_193 : vector<16xi32> to vector<16xi32>
          tpu.vector_store %arg8[%swap3A_194], %swap3A_197 {strides = array<i32>} : memref<16384xi32, #tpu.memory_space<vmem>>, vector<16xi32>,
          %mul3A_198 = arith.constant 8 : i32
          %mul3A_199 = arith.muli %scan3A_151, %mul3A_198 : i32
          %add3A_200 = arith.constant 3 : i32
          %add3A_201 = arith.addi %mul3A_199, %add3A_200 : i32
          %mul3A_202 = arith.constant 16 : i32
          %mul3A_203 = arith.muli %add3A_201, %mul3A_202 : i32
          %get3A_204 = arith.index_cast %mul3A_203 : i32 to index
          %get3A_205 = tpu.vector_load %arg6[%get3A_204] {strides = array<i32>} : memref<16384xi32, #tpu.memory_space<vmem>>, vector<16xi32>,
          %get3A_206 = vector.shape_cast %get3A_205 : vector<16xi32> to vector<16xi32>
          %and3A_207 = arith.constant 33554431 : i32
          %and3A_208 = vector.broadcast %and3A_207 : i32 to vector<16xi32>
          %and3A_209 = arith.andi %get3A_206, %and3A_208 : vector<16xi32>
          %swap3A_210 = arith.index_cast %mul3A_203 : i32 to index
          %swap3A_211 = tpu.vector_load %arg8[%swap3A_210] {strides = array<i32>} : memref<16384xi32, #tpu.memory_space<vmem>>, vector<16xi32>,
          %swap3A_212 = vector.shape_cast %swap3A_211 : vector<16xi32> to vector<16xi32>
          %swap3A_213 = vector.shape_cast %and3A_209 : vector<16xi32> to vector<16xi32>
          tpu.vector_store %arg8[%swap3A_210], %swap3A_213 {strides = array<i32>} : memref<16384xi32, #tpu.memory_space<vmem>>, vector<16xi32>,
          %mul3A_214 = arith.constant 8 : i32
          %mul3A_215 = arith.muli %scan3A_151, %mul3A_214 : i32
          %add3A_216 = arith.constant 4 : i32
          %add3A_217 = arith.addi %mul3A_215, %add3A_216 : i32
          %mul3A_218 = arith.constant 16 : i32
          %mul3A_219 = arith.muli %add3A_217, %mul3A_218 : i32
          %get3A_220 = arith.index_cast %mul3A_219 : i32 to index
          %get3A_221 = tpu.vector_load %arg6[%get3A_220] {strides = array<i32>} : memref<16384xi32, #tpu.memory_space<vmem>>, vector<16xi32>,
          %get3A_222 = vector.shape_cast %get3A_221 : vector<16xi32> to vector<16xi32>
          %and3A_223 = arith.constant 33554431 : i32
          %and3A_224 = vector.broadcast %and3A_223 : i32 to vector<16xi32>
          %and3A_225 = arith.andi %get3A_222, %and3A_224 : vector<16xi32>
          %swap3A_226 = arith.index_cast %mul3A_219 : i32 to index
          %swap3A_227 = tpu.vector_load %arg8[%swap3A_226] {strides = array<i32>} : memref<16384xi32, #tpu.memory_space<vmem>>, vector<16xi32>,
          %swap3A_228 = vector.shape_cast %swap3A_227 : vector<16xi32> to vector<16xi32>
          %swap3A_229 = vector.shape_cast %and3A_225 : vector<16xi32> to vector<16xi32>
          tpu.vector_store %arg8[%swap3A_226], %swap3A_229 {strides = array<i32>} : memref<16384xi32, #tpu.memory_space<vmem>>, vector<16xi32>,
          %mul3A_230 = arith.constant 8 : i32
          %mul3A_231 = arith.muli %scan3A_151, %mul3A_230 : i32
          %add3A_232 = arith.constant 5 : i32
          %add3A_233 = arith.addi %mul3A_231, %add3A_232 : i32
          %mul3A_234 = arith.constant 16 : i32
          %mul3A_235 = arith.muli %add3A_233, %mul3A_234 : i32
          %get3A_236 = arith.index_cast %mul3A_235 : i32 to index
          %get3A_237 = tpu.vector_load %arg6[%get3A_236] {strides = array<i32>} : memref<16384xi32, #tpu.memory_space<vmem>>, vector<16xi32>,
          %get3A_238 = vector.shape_cast %get3A_237 : vector<16xi32> to vector<16xi32>
          %and3A_239 = arith.constant 33554431 : i32
          %and3A_240 = vector.broadcast %and3A_239 : i32 to vector<16xi32>
          %and3A_241 = arith.andi %get3A_238, %and3A_240 : vector<16xi32>
          %swap3A_242 = arith.index_cast %mul3A_235 : i32 to index
          %swap3A_243 = tpu.vector_load %arg8[%swap3A_242] {strides = array<i32>} : memref<16384xi32, #tpu.memory_space<vmem>>, vector<16xi32>,
          %swap3A_244 = vector.shape_cast %swap3A_243 : vector<16xi32> to vector<16xi32>
          %swap3A_245 = vector.shape_cast %and3A_241 : vector<16xi32> to vector<16xi32>
          tpu.vector_store %arg8[%swap3A_242], %swap3A_245 {strides = array<i32>} : memref<16384xi32, #tpu.memory_space<vmem>>, vector<16xi32>,
          %mul3A_246 = arith.constant 8 : i32
          %mul3A_247 = arith.muli %scan3A_151, %mul3A_246 : i32
          %add3A_248 = arith.constant 6 : i32
          %add3A_249 = arith.addi %mul3A_247, %add3A_248 : i32
          %mul3A_250 = arith.constant 16 : i32
          %mul3A_251 = arith.muli %add3A_249, %mul3A_250 : i32
          %get3A_252 = arith.index_cast %mul3A_251 : i32 to index
          %get3A_253 = tpu.vector_load %arg6[%get3A_252] {strides = array<i32>} : memref<16384xi32, #tpu.memory_space<vmem>>, vector<16xi32>,
          %get3A_254 = vector.shape_cast %get3A_253 : vector<16xi32> to vector<16xi32>
          %and3A_255 = arith.constant 33554431 : i32
          %and3A_256 = vector.broadcast %and3A_255 : i32 to vector<16xi32>
          %and3A_257 = arith.andi %get3A_254, %and3A_256 : vector<16xi32>
          %swap3A_258 = arith.index_cast %mul3A_251 : i32 to index
          %swap3A_259 = tpu.vector_load %arg8[%swap3A_258] {strides = array<i32>} : memref<16384xi32, #tpu.memory_space<vmem>>, vector<16xi32>,
          %swap3A_260 = vector.shape_cast %swap3A_259 : vector<16xi32> to vector<16xi32>
          %swap3A_261 = vector.shape_cast %and3A_257 : vector<16xi32> to vector<16xi32>
          tpu.vector_store %arg8[%swap3A_258], %swap3A_261 {strides = array<i32>} : memref<16384xi32, #tpu.memory_space<vmem>>, vector<16xi32>,
          %mul3A_262 = arith.constant 8 : i32
          %mul3A_263 = arith.muli %scan3A_151, %mul3A_262 : i32
          %add3A_264 = arith.constant 7 : i32
          %add3A_265 = arith.addi %mul3A_263, %add3A_264 : i32
          %mul3A_266 = arith.constant 16 : i32
          %mul3A_267 = arith.muli %add3A_265, %mul3A_266 : i32
          %get3A_268 = arith.index_cast %mul3A_267 : i32 to index
          %get3A_269 = tpu.vector_load %arg6[%get3A_268] {strides = array<i32>} : memref<16384xi32, #tpu.memory_space<vmem>>, vector<16xi32>,
          %get3A_270 = vector.shape_cast %get3A_269 : vector<16xi32> to vector<16xi32>
          %and3A_271 = arith.constant 33554431 : i32
          %and3A_272 = vector.broadcast %and3A_271 : i32 to vector<16xi32>
          %and3A_273 = arith.andi %get3A_270, %and3A_272 : vector<16xi32>
          %swap3A_274 = arith.index_cast %mul3A_267 : i32 to index
          %swap3A_275 = tpu.vector_load %arg8[%swap3A_274] {strides = array<i32>} : memref<16384xi32, #tpu.memory_space<vmem>>, vector<16xi32>,
          %swap3A_276 = vector.shape_cast %swap3A_275 : vector<16xi32> to vector<16xi32>
          %swap3A_277 = vector.shape_cast %and3A_273 : vector<16xi32> to vector<16xi32>
          tpu.vector_store %arg8[%swap3A_274], %swap3A_277 {strides = array<i32>} : memref<16384xi32, #tpu.memory_space<vmem>>, vector<16xi32>,
        }
        %scan3A_138 = arith.constant 128 : i32
        %dma_start3A_139 = arith.constant 0 : i32
        %dma_start3A_140 = tpu.memref_slice %arg10[%dma_start3A_139] : memref<16384xf32, #tpu.memory_space<vmem>> -> memref<8192xf32, #tpu.memory_space<vmem>>
        %dma_start3A_141 = arith.constant 0 : i32
        %dma_start3A_142 = tpu.memref_slice %arg8[%dma_start3A_141] : memref<16384xi32, #tpu.memory_space<vmem>> -> memref<8192xi32, #tpu.memory_space<vmem>>
        %dma_start3A_143 = arith.constant 0 : i32
        %dma_start3A_144 = tpu.memref_slice %arg2[%dma_start3A_143] : memref<25640960xf32, #tpu.memory_space<hbm>> -> memref<25640960xf32, #tpu.memory_space<hbm>>
        tpu.enqueue_indirect_dma source(%dma_start3A_144 : memref<25640960xf32, #tpu.memory_space<hbm>>) target(%dma_start3A_140 : memref<8192xf32, #tpu.memory_space<vmem>>) offsets(%dma_start3A_142 : memref<8192xi32, #tpu.memory_space<vmem>>) semaphore(%arg14 : memref<!tpu.dma_semaphore, #tpu.memory_space<semaphore_mem>>)
        %dma_start3A_145 = arith.constant 8192 : i32
        %dma_start3A_146 = tpu.memref_slice %arg10[%dma_start3A_145] : memref<16384xf32, #tpu.memory_space<vmem>> -> memref<8192xf32, #tpu.memory_space<vmem>>
        %dma_start3A_147 = arith.constant 8192 : i32
        %dma_start3A_148 = tpu.memref_slice %arg8[%dma_start3A_147] : memref<16384xi32, #tpu.memory_space<vmem>> -> memref<8192xi32, #tpu.memory_space<vmem>>
        %dma_start3A_149 = arith.constant 0 : i32
        %dma_start3A_150 = tpu.memref_slice %arg2[%dma_start3A_149] : memref<25640960xf32, #tpu.memory_space<hbm>> -> memref<25640960xf32, #tpu.memory_space<hbm>>
        tpu.enqueue_indirect_dma source(%dma_start3A_150 : memref<25640960xf32, #tpu.memory_space<hbm>>) target(%dma_start3A_146 : memref<8192xf32, #tpu.memory_space<vmem>>) offsets(%dma_start3A_148 : memref<8192xi32, #tpu.memory_space<vmem>>) semaphore(%arg14 : memref<!tpu.dma_semaphore, #tpu.memory_space<semaphore_mem>>)
      } else {
      }
      %dma_wait3A_53 = arith.constant 0 : i32
      %dma_wait3A_54 = tpu.memref_slice %arg9[%dma_wait3A_53] : memref<16384xf32, #tpu.memory_space<vmem>> -> memref<8192xf32, #tpu.memory_space<vmem>>
      %dma_wait3A_55 = arith.constant 0 : i32
      %dma_wait3A_56 = tpu.memref_slice %arg7[%dma_wait3A_55] : memref<16384xi32, #tpu.memory_space<vmem>> -> memref<8192xi32, #tpu.memory_space<vmem>>
      %dma_wait3A_57 = arith.constant 0 : i32
      %dma_wait3A_58 = tpu.memref_slice %arg2[%dma_wait3A_57] : memref<25640960xf32, #tpu.memory_space<hbm>> -> memref<25640960xf32, #tpu.memory_space<hbm>>
      tpu.wait_indirect_dma semaphore(%arg13 : memref<!tpu.dma_semaphore, #tpu.memory_space<semaphore_mem>>) src(%dma_wait3A_58 : memref<25640960xf32, #tpu.memory_space<hbm>>) dst(%dma_wait3A_54 : memref<8192xf32, #tpu.memory_space<vmem>>)
      %dma_wait3A_59 = arith.constant 8192 : i32
      %dma_wait3A_60 = tpu.memref_slice %arg9[%dma_wait3A_59] : memref<16384xf32, #tpu.memory_space<vmem>> -> memref<8192xf32, #tpu.memory_space<vmem>>
      %dma_wait3A_61 = arith.constant 8192 : i32
      %dma_wait3A_62 = tpu.memref_slice %arg7[%dma_wait3A_61] : memref<16384xi32, #tpu.memory_space<vmem>> -> memref<8192xi32, #tpu.memory_space<vmem>>
      %dma_wait3A_63 = arith.constant 0 : i32
      %dma_wait3A_64 = tpu.memref_slice %arg2[%dma_wait3A_63] : memref<25640960xf32, #tpu.memory_space<hbm>> -> memref<25640960xf32, #tpu.memory_space<hbm>>
      tpu.wait_indirect_dma semaphore(%arg13 : memref<!tpu.dma_semaphore, #tpu.memory_space<semaphore_mem>>) src(%dma_wait3A_64 : memref<25640960xf32, #tpu.memory_space<hbm>>) dst(%dma_wait3A_60 : memref<8192xf32, #tpu.memory_space<vmem>>)
      %scan3A_65 = arith.constant 0 : i32
      %scan3A_66 = arith.constant 128 : i32
      %scan3A_67 = arith.addi %scan3A_65, %scan3A_66 : i32
      %scan3A_68 = arith.constant 1 : i32
      scf.for %scan3A_132 = %scan3A_65 to %scan3A_67 step %scan3A_68  : i32 {
        %mul3A_133 = arith.constant 8 : i32
        %mul3A_134 = arith.muli %scan3A_132, %mul3A_133 : i32
        %add3A_135 = arith.constant 0 : i32
        %add3A_136 = arith.addi %mul3A_134, %add3A_135 : i32
        %mul3A_137 = arith.constant 16 : i32
        %mul3A_138 = arith.muli %add3A_136, %mul3A_137 : i32
        %get3A = arith.index_cast %mul3A_138 : i32 to index
        %get3A_139 = tpu.vector_load %arg5[%get3A] {strides = array<i32>} : memref<16384xi32, #tpu.memory_space<vmem>>, vector<16xi32>,
        %get3A_140 = vector.shape_cast %get3A_139 : vector<16xi32> to vector<16xi32>
        %and3A_141 = arith.constant 33554432 : i32
        %and3A_142 = vector.broadcast %and3A_141 : i32 to vector<16xi32>
        %and3A_143 = arith.andi %get3A_140, %and3A_142 : vector<16xi32>
        %shift_left3A = arith.constant 6 : i32
        %shift_left3A_144 = vector.broadcast %shift_left3A : i32 to vector<16xi32>
        %shift_left3A_145 = arith.shli %and3A_143, %shift_left3A_144 : vector<16xi32>
        %get3A_146 = arith.index_cast %mul3A_138 : i32 to index
        %get3A_147 = tpu.vector_load %arg9[%get3A_146] {strides = array<i32>} : memref<16384xf32, #tpu.memory_space<vmem>>, vector<16xf32>,
        %get3A_148 = vector.shape_cast %get3A_147 : vector<16xf32> to vector<16xf32>
        %bitcast_convert_type3A = tpu.bitcast %get3A_148 : vector<16xf32> -> vector<16xi32>
        %xor3A = arith.xori %bitcast_convert_type3A, %shift_left3A_145 : vector<16xi32>
        %bitcast_convert_type3A_149 = tpu.bitcast %xor3A : vector<16xi32> -> vector<16xf32>
        %swap3A = arith.index_cast %mul3A_138 : i32 to index
        %swap3A_150 = tpu.vector_load %arg9[%swap3A] {strides = array<i32>} : memref<16384xf32, #tpu.memory_space<vmem>>, vector<16xf32>,
        %swap3A_151 = vector.shape_cast %swap3A_150 : vector<16xf32> to vector<16xf32>
        %swap3A_152 = vector.shape_cast %bitcast_convert_type3A_149 : vector<16xf32> to vector<16xf32>
        tpu.vector_store %arg9[%swap3A], %swap3A_152 {strides = array<i32>} : memref<16384xf32, #tpu.memory_space<vmem>>, vector<16xf32>,
        %mul3A_153 = arith.constant 8 : i32
        %mul3A_154 = arith.muli %scan3A_132, %mul3A_153 : i32
        %add3A_155 = arith.constant 1 : i32
        %add3A_156 = arith.addi %mul3A_154, %add3A_155 : i32
        %mul3A_157 = arith.constant 16 : i32
        %mul3A_158 = arith.muli %add3A_156, %mul3A_157 : i32
        %get3A_159 = arith.index_cast %mul3A_158 : i32 to index
        %get3A_160 = tpu.vector_load %arg5[%get3A_159] {strides = array<i32>} : memref<16384xi32, #tpu.memory_space<vmem>>, vector<16xi32>,
        %get3A_161 = vector.shape_cast %get3A_160 : vector<16xi32> to vector<16xi32>
        %and3A_162 = arith.constant 33554432 : i32
        %and3A_163 = vector.broadcast %and3A_162 : i32 to vector<16xi32>
        %and3A_164 = arith.andi %get3A_161, %and3A_163 : vector<16xi32>
        %shift_left3A_165 = arith.constant 6 : i32
        %shift_left3A_166 = vector.broadcast %shift_left3A_165 : i32 to vector<16xi32>
        %shift_left3A_167 = arith.shli %and3A_164, %shift_left3A_166 : vector<16xi32>
        %get3A_168 = arith.index_cast %mul3A_158 : i32 to index
        %get3A_169 = tpu.vector_load %arg9[%get3A_168] {strides = array<i32>} : memref<16384xf32, #tpu.memory_space<vmem>>, vector<16xf32>,
        %get3A_170 = vector.shape_cast %get3A_169 : vector<16xf32> to vector<16xf32>
        %bitcast_convert_type3A_171 = tpu.bitcast %get3A_170 : vector<16xf32> -> vector<16xi32>
        %xor3A_172 = arith.xori %bitcast_convert_type3A_171, %shift_left3A_167 : vector<16xi32>
        %bitcast_convert_type3A_173 = tpu.bitcast %xor3A_172 : vector<16xi32> -> vector<16xf32>
        %swap3A_174 = arith.index_cast %mul3A_158 : i32 to index
        %swap3A_175 = tpu.vector_load %arg9[%swap3A_174] {strides = array<i32>} : memref<16384xf32, #tpu.memory_space<vmem>>, vector<16xf32>,
        %swap3A_176 = vector.shape_cast %swap3A_175 : vector<16xf32> to vector<16xf32>
        %swap3A_177 = vector.shape_cast %bitcast_convert_type3A_173 : vector<16xf32> to vector<16xf32>
        tpu.vector_store %arg9[%swap3A_174], %swap3A_177 {strides = array<i32>} : memref<16384xf32, #tpu.memory_space<vmem>>, vector<16xf32>,
        %mul3A_178 = arith.constant 8 : i32
        %mul3A_179 = arith.muli %scan3A_132, %mul3A_178 : i32
        %add3A_180 = arith.constant 2 : i32
        %add3A_181 = arith.addi %mul3A_179, %add3A_180 : i32
        %mul3A_182 = arith.constant 16 : i32
        %mul3A_183 = arith.muli %add3A_181, %mul3A_182 : i32
        %get3A_184 = arith.index_cast %mul3A_183 : i32 to index
        %get3A_185 = tpu.vector_load %arg5[%get3A_184] {strides = array<i32>} : memref<16384xi32, #tpu.memory_space<vmem>>, vector<16xi32>,
        %get3A_186 = vector.shape_cast %get3A_185 : vector<16xi32> to vector<16xi32>
        %and3A_187 = arith.constant 33554432 : i32
        %and3A_188 = vector.broadcast %and3A_187 : i32 to vector<16xi32>
        %and3A_189 = arith.andi %get3A_186, %and3A_188 : vector<16xi32>
        %shift_left3A_190 = arith.constant 6 : i32
        %shift_left3A_191 = vector.broadcast %shift_left3A_190 : i32 to vector<16xi32>
        %shift_left3A_192 = arith.shli %and3A_189, %shift_left3A_191 : vector<16xi32>
        %get3A_193 = arith.index_cast %mul3A_183 : i32 to index
        %get3A_194 = tpu.vector_load %arg9[%get3A_193] {strides = array<i32>} : memref<16384xf32, #tpu.memory_space<vmem>>, vector<16xf32>,
        %get3A_195 = vector.shape_cast %get3A_194 : vector<16xf32> to vector<16xf32>
        %bitcast_convert_type3A_196 = tpu.bitcast %get3A_195 : vector<16xf32> -> vector<16xi32>
        %xor3A_197 = arith.xori %bitcast_convert_type3A_196, %shift_left3A_192 : vector<16xi32>
        %bitcast_convert_type3A_198 = tpu.bitcast %xor3A_197 : vector<16xi32> -> vector<16xf32>
        %swap3A_199 = arith.index_cast %mul3A_183 : i32 to index
        %swap3A_200 = tpu.vector_load %arg9[%swap3A_199] {strides = array<i32>} : memref<16384xf32, #tpu.memory_space<vmem>>, vector<16xf32>,
        %swap3A_201 = vector.shape_cast %swap3A_200 : vector<16xf32> to vector<16xf32>
        %swap3A_202 = vector.shape_cast %bitcast_convert_type3A_198 : vector<16xf32> to vector<16xf32>
        tpu.vector_store %arg9[%swap3A_199], %swap3A_202 {strides = array<i32>} : memref<16384xf32, #tpu.memory_space<vmem>>, vector<16xf32>,
        %mul3A_203 = arith.constant 8 : i32
        %mul3A_204 = arith.muli %scan3A_132, %mul3A_203 : i32
        %add3A_205 = arith.constant 3 : i32
        %add3A_206 = arith.addi %mul3A_204, %add3A_205 : i32
        %mul3A_207 = arith.constant 16 : i32
        %mul3A_208 = arith.muli %add3A_206, %mul3A_207 : i32
        %get3A_209 = arith.index_cast %mul3A_208 : i32 to index
        %get3A_210 = tpu.vector_load %arg5[%get3A_209] {strides = array<i32>} : memref<16384xi32, #tpu.memory_space<vmem>>, vector<16xi32>,
        %get3A_211 = vector.shape_cast %get3A_210 : vector<16xi32> to vector<16xi32>
        %and3A_212 = arith.constant 33554432 : i32
        %and3A_213 = vector.broadcast %and3A_212 : i32 to vector<16xi32>
        %and3A_214 = arith.andi %get3A_211, %and3A_213 : vector<16xi32>
        %shift_left3A_215 = arith.constant 6 : i32
        %shift_left3A_216 = vector.broadcast %shift_left3A_215 : i32 to vector<16xi32>
        %shift_left3A_217 = arith.shli %and3A_214, %shift_left3A_216 : vector<16xi32>
        %get3A_218 = arith.index_cast %mul3A_208 : i32 to index
        %get3A_219 = tpu.vector_load %arg9[%get3A_218] {strides = array<i32>} : memref<16384xf32, #tpu.memory_space<vmem>>, vector<16xf32>,
        %get3A_220 = vector.shape_cast %get3A_219 : vector<16xf32> to vector<16xf32>
        %bitcast_convert_type3A_221 = tpu.bitcast %get3A_220 : vector<16xf32> -> vector<16xi32>
        %xor3A_222 = arith.xori %bitcast_convert_type3A_221, %shift_left3A_217 : vector<16xi32>
        %bitcast_convert_type3A_223 = tpu.bitcast %xor3A_222 : vector<16xi32> -> vector<16xf32>
        %swap3A_224 = arith.index_cast %mul3A_208 : i32 to index
        %swap3A_225 = tpu.vector_load %arg9[%swap3A_224] {strides = array<i32>} : memref<16384xf32, #tpu.memory_space<vmem>>, vector<16xf32>,
        %swap3A_226 = vector.shape_cast %swap3A_225 : vector<16xf32> to vector<16xf32>
        %swap3A_227 = vector.shape_cast %bitcast_convert_type3A_223 : vector<16xf32> to vector<16xf32>
        tpu.vector_store %arg9[%swap3A_224], %swap3A_227 {strides = array<i32>} : memref<16384xf32, #tpu.memory_space<vmem>>, vector<16xf32>,
        %mul3A_228 = arith.constant 8 : i32
        %mul3A_229 = arith.muli %scan3A_132, %mul3A_228 : i32
        %add3A_230 = arith.constant 4 : i32
        %add3A_231 = arith.addi %mul3A_229, %add3A_230 : i32
        %mul3A_232 = arith.constant 16 : i32
        %mul3A_233 = arith.muli %add3A_231, %mul3A_232 : i32
        %get3A_234 = arith.index_cast %mul3A_233 : i32 to index
        %get3A_235 = tpu.vector_load %arg5[%get3A_234] {strides = array<i32>} : memref<16384xi32, #tpu.memory_space<vmem>>, vector<16xi32>,
        %get3A_236 = vector.shape_cast %get3A_235 : vector<16xi32> to vector<16xi32>
        %and3A_237 = arith.constant 33554432 : i32
        %and3A_238 = vector.broadcast %and3A_237 : i32 to vector<16xi32>
        %and3A_239 = arith.andi %get3A_236, %and3A_238 : vector<16xi32>
        %shift_left3A_240 = arith.constant 6 : i32
        %shift_left3A_241 = vector.broadcast %shift_left3A_240 : i32 to vector<16xi32>
        %shift_left3A_242 = arith.shli %and3A_239, %shift_left3A_241 : vector<16xi32>
        %get3A_243 = arith.index_cast %mul3A_233 : i32 to index
        %get3A_244 = tpu.vector_load %arg9[%get3A_243] {strides = array<i32>} : memref<16384xf32, #tpu.memory_space<vmem>>, vector<16xf32>,
        %get3A_245 = vector.shape_cast %get3A_244 : vector<16xf32> to vector<16xf32>
        %bitcast_convert_type3A_246 = tpu.bitcast %get3A_245 : vector<16xf32> -> vector<16xi32>
        %xor3A_247 = arith.xori %bitcast_convert_type3A_246, %shift_left3A_242 : vector<16xi32>
        %bitcast_convert_type3A_248 = tpu.bitcast %xor3A_247 : vector<16xi32> -> vector<16xf32>
        %swap3A_249 = arith.index_cast %mul3A_233 : i32 to index
        %swap3A_250 = tpu.vector_load %arg9[%swap3A_249] {strides = array<i32>} : memref<16384xf32, #tpu.memory_space<vmem>>, vector<16xf32>,
        %swap3A_251 = vector.shape_cast %swap3A_250 : vector<16xf32> to vector<16xf32>
        %swap3A_252 = vector.shape_cast %bitcast_convert_type3A_248 : vector<16xf32> to vector<16xf32>
        tpu.vector_store %arg9[%swap3A_249], %swap3A_252 {strides = array<i32>} : memref<16384xf32, #tpu.memory_space<vmem>>, vector<16xf32>,
        %mul3A_253 = arith.constant 8 : i32
        %mul3A_254 = arith.muli %scan3A_132, %mul3A_253 : i32
        %add3A_255 = arith.constant 5 : i32
        %add3A_256 = arith.addi %mul3A_254, %add3A_255 : i32
        %mul3A_257 = arith.constant 16 : i32
        %mul3A_258 = arith.muli %add3A_256, %mul3A_257 : i32
        %get3A_259 = arith.index_cast %mul3A_258 : i32 to index
        %get3A_260 = tpu.vector_load %arg5[%get3A_259] {strides = array<i32>} : memref<16384xi32, #tpu.memory_space<vmem>>, vector<16xi32>,
        %get3A_261 = vector.shape_cast %get3A_260 : vector<16xi32> to vector<16xi32>
        %and3A_262 = arith.constant 33554432 : i32
        %and3A_263 = vector.broadcast %and3A_262 : i32 to vector<16xi32>
        %and3A_264 = arith.andi %get3A_261, %and3A_263 : vector<16xi32>
        %shift_left3A_265 = arith.constant 6 : i32
        %shift_left3A_266 = vector.broadcast %shift_left3A_265 : i32 to vector<16xi32>
        %shift_left3A_267 = arith.shli %and3A_264, %shift_left3A_266 : vector<16xi32>
        %get3A_268 = arith.index_cast %mul3A_258 : i32 to index
        %get3A_269 = tpu.vector_load %arg9[%get3A_268] {strides = array<i32>} : memref<16384xf32, #tpu.memory_space<vmem>>, vector<16xf32>,
        %get3A_270 = vector.shape_cast %get3A_269 : vector<16xf32> to vector<16xf32>
        %bitcast_convert_type3A_271 = tpu.bitcast %get3A_270 : vector<16xf32> -> vector<16xi32>
        %xor3A_272 = arith.xori %bitcast_convert_type3A_271, %shift_left3A_267 : vector<16xi32>
        %bitcast_convert_type3A_273 = tpu.bitcast %xor3A_272 : vector<16xi32> -> vector<16xf32>
        %swap3A_274 = arith.index_cast %mul3A_258 : i32 to index
        %swap3A_275 = tpu.vector_load %arg9[%swap3A_274] {strides = array<i32>} : memref<16384xf32, #tpu.memory_space<vmem>>, vector<16xf32>,
        %swap3A_276 = vector.shape_cast %swap3A_275 : vector<16xf32> to vector<16xf32>
        %swap3A_277 = vector.shape_cast %bitcast_convert_type3A_273 : vector<16xf32> to vector<16xf32>
        tpu.vector_store %arg9[%swap3A_274], %swap3A_277 {strides = array<i32>} : memref<16384xf32, #tpu.memory_space<vmem>>, vector<16xf32>,
        %mul3A_278 = arith.constant 8 : i32
        %mul3A_279 = arith.muli %scan3A_132, %mul3A_278 : i32
        %add3A_280 = arith.constant 6 : i32
        %add3A_281 = arith.addi %mul3A_279, %add3A_280 : i32
        %mul3A_282 = arith.constant 16 : i32
        %mul3A_283 = arith.muli %add3A_281, %mul3A_282 : i32
        %get3A_284 = arith.index_cast %mul3A_283 : i32 to index
        %get3A_285 = tpu.vector_load %arg5[%get3A_284] {strides = array<i32>} : memref<16384xi32, #tpu.memory_space<vmem>>, vector<16xi32>,
        %get3A_286 = vector.shape_cast %get3A_285 : vector<16xi32> to vector<16xi32>
        %and3A_287 = arith.constant 33554432 : i32
        %and3A_288 = vector.broadcast %and3A_287 : i32 to vector<16xi32>
        %and3A_289 = arith.andi %get3A_286, %and3A_288 : vector<16xi32>
        %shift_left3A_290 = arith.constant 6 : i32
        %shift_left3A_291 = vector.broadcast %shift_left3A_290 : i32 to vector<16xi32>
        %shift_left3A_292 = arith.shli %and3A_289, %shift_left3A_291 : vector<16xi32>
        %get3A_293 = arith.index_cast %mul3A_283 : i32 to index
        %get3A_294 = tpu.vector_load %arg9[%get3A_293] {strides = array<i32>} : memref<16384xf32, #tpu.memory_space<vmem>>, vector<16xf32>,
        %get3A_295 = vector.shape_cast %get3A_294 : vector<16xf32> to vector<16xf32>
        %bitcast_convert_type3A_296 = tpu.bitcast %get3A_295 : vector<16xf32> -> vector<16xi32>
        %xor3A_297 = arith.xori %bitcast_convert_type3A_296, %shift_left3A_292 : vector<16xi32>
        %bitcast_convert_type3A_298 = tpu.bitcast %xor3A_297 : vector<16xi32> -> vector<16xf32>
        %swap3A_299 = arith.index_cast %mul3A_283 : i32 to index
        %swap3A_300 = tpu.vector_load %arg9[%swap3A_299] {strides = array<i32>} : memref<16384xf32, #tpu.memory_space<vmem>>, vector<16xf32>,
        %swap3A_301 = vector.shape_cast %swap3A_300 : vector<16xf32> to vector<16xf32>
        %swap3A_302 = vector.shape_cast %bitcast_convert_type3A_298 : vector<16xf32> to vector<16xf32>
        tpu.vector_store %arg9[%swap3A_299], %swap3A_302 {strides = array<i32>} : memref<16384xf32, #tpu.memory_space<vmem>>, vector<16xf32>,
        %mul3A_303 = arith.constant 8 : i32
        %mul3A_304 = arith.muli %scan3A_132, %mul3A_303 : i32
        %add3A_305 = arith.constant 7 : i32
        %add3A_306 = arith.addi %mul3A_304, %add3A_305 : i32
        %mul3A_307 = arith.constant 16 : i32
        %mul3A_308 = arith.muli %add3A_306, %mul3A_307 : i32
        %get3A_309 = arith.index_cast %mul3A_308 : i32 to index
        %get3A_310 = tpu.vector_load %arg5[%get3A_309] {strides = array<i32>} : memref<16384xi32, #tpu.memory_space<vmem>>, vector<16xi32>,
        %get3A_311 = vector.shape_cast %get3A_310 : vector<16xi32> to vector<16xi32>
        %and3A_312 = arith.constant 33554432 : i32
        %and3A_313 = vector.broadcast %and3A_312 : i32 to vector<16xi32>
        %and3A_314 = arith.andi %get3A_311, %and3A_313 : vector<16xi32>
        %shift_left3A_315 = arith.constant 6 : i32
        %shift_left3A_316 = vector.broadcast %shift_left3A_315 : i32 to vector<16xi32>
        %shift_left3A_317 = arith.shli %and3A_314, %shift_left3A_316 : vector<16xi32>
        %get3A_318 = arith.index_cast %mul3A_308 : i32 to index
        %get3A_319 = tpu.vector_load %arg9[%get3A_318] {strides = array<i32>} : memref<16384xf32, #tpu.memory_space<vmem>>, vector<16xf32>,
        %get3A_320 = vector.shape_cast %get3A_319 : vector<16xf32> to vector<16xf32>
        %bitcast_convert_type3A_321 = tpu.bitcast %get3A_320 : vector<16xf32> -> vector<16xi32>
        %xor3A_322 = arith.xori %bitcast_convert_type3A_321, %shift_left3A_317 : vector<16xi32>
        %bitcast_convert_type3A_323 = tpu.bitcast %xor3A_322 : vector<16xi32> -> vector<16xf32>
        %swap3A_324 = arith.index_cast %mul3A_308 : i32 to index
        %swap3A_325 = tpu.vector_load %arg9[%swap3A_324] {strides = array<i32>} : memref<16384xf32, #tpu.memory_space<vmem>>, vector<16xf32>,
        %swap3A_326 = vector.shape_cast %swap3A_325 : vector<16xf32> to vector<16xf32>
        %swap3A_327 = vector.shape_cast %bitcast_convert_type3A_323 : vector<16xf32> to vector<16xf32>
        tpu.vector_store %arg9[%swap3A_324], %swap3A_327 {strides = array<i32>} : memref<16384xf32, #tpu.memory_space<vmem>>, vector<16xf32>,
      }
      %scan3A_69 = arith.constant 128 : i32
      %mul3A_70 = arith.constant 16384 : i32
      %mul3A_71 = arith.muli %add3A_40, %mul3A_70 : i32
      %add3A_72 = arith.addi %mul3A_2, %mul3A_71 : i32
      %dma_start3A_73 = tpu.memref_slice %arg4[%add3A_72] : memref<16777216xf32, #tpu.memory_space<hbm>> -> memref<16384xf32, #tpu.memory_space<hbm>>
      %dma_start3A_74 = tpu.memref_slice %arg4[%add3A_72] : memref<16777216xf32, #tpu.memory_space<hbm>> -> memref<16384xf32, #tpu.memory_space<hbm>>
      tpu.enqueue_dma source(%arg9 : memref<16384xf32, #tpu.memory_space<vmem>>) target(%dma_start3A_74 : memref<16384xf32, #tpu.memory_space<hbm>>) target_semaphore(%arg15 : memref<!tpu.dma_semaphore, #tpu.memory_space<semaphore_mem>>)
      %add3A_75 = arith.constant 2 : i32
      %add3A_76 = arith.addi %add3A_40, %add3A_75 : i32
      %lt3A_77 = arith.constant 32 : i32
      %lt3A_78 = arith.cmpi slt, %add3A_76, %lt3A_77 : i32
      %convert_element_type3A_79 = arith.extui %lt3A_78 : i1 to i32
      %cond3A_80 = arith.constant 0 : i32
      %cond3A_81 = arith.cmpi ne, %convert_element_type3A_79, %cond3A_80 : i32
      scf.if %cond3A_81 {
        %add3A_132 = arith.constant 2 : i32
        %add3A_133 = arith.addi %add3A_40, %add3A_132 : i32
        %mul3A_134 = arith.constant 16384 : i32
        %mul3A_135 = arith.muli %add3A_133, %mul3A_134 : i32
        %add3A_136 = arith.addi %mul3A_2, %mul3A_135 : i32
        %dma_start3A_137 = tpu.memref_slice %arg3[%add3A_136] : memref<16777216xi32, #tpu.memory_space<hbm>> -> memref<16384xi32, #tpu.memory_space<hbm>>
        %dma_start3A_138 = tpu.memref_slice %arg3[%add3A_136] : memref<16777216xi32, #tpu.memory_space<hbm>> -> memref<16384xi32, #tpu.memory_space<hbm>>
        tpu.enqueue_dma source(%dma_start3A_138 : memref<16384xi32, #tpu.memory_space<hbm>>) target(%arg5 : memref<16384xi32, #tpu.memory_space<vmem>>) target_semaphore(%arg11 : memref<!tpu.dma_semaphore, #tpu.memory_space<semaphore_mem>>)
      } else {
      }
      %mul3A_82 = arith.constant 2 : i32
      %mul3A_83 = arith.muli %mul3A_82, %scan3A_36 : i32
      %add3A_84 = arith.constant 1 : i32
      %add3A_85 = arith.addi %mul3A_83, %add3A_84 : i32
      %add3A_86 = arith.constant 1 : i32
      %add3A_87 = arith.addi %add3A_85, %add3A_86 : i32
      %lt3A_88 = arith.constant 32 : i32
      %lt3A_89 = arith.cmpi slt, %add3A_87, %lt3A_88 : i32
      %ge3A_90 = arith.constant 1 : i32
      %ge3A_91 = arith.cmpi sge, %add3A_85, %ge3A_90 : i32
      %and3A_92 = arith.andi %lt3A_89, %ge3A_91 : i1
      %convert_element_type3A_93 = arith.extui %and3A_92 : i1 to i32
      %cond3A_94 = arith.constant 0 : i32
      %cond3A_95 = arith.cmpi ne, %convert_element_type3A_93, %cond3A_94 : i32
      scf.if %cond3A_95 {
        %dma_wait3A_132 = tpu.memref_slice %arg4[%mul3A_2] : memref<16777216xf32, #tpu.memory_space<hbm>> -> memref<16384xf32, #tpu.memory_space<hbm>>
        %dma_wait3A_133 = tpu.memref_slice %arg4[%mul3A_2] : memref<16777216xf32, #tpu.memory_space<hbm>> -> memref<16384xf32, #tpu.memory_space<hbm>>
        tpu.wait_dma2 semaphore(%arg15 : memref<!tpu.dma_semaphore, #tpu.memory_space<semaphore_mem>>) src(%arg9 : memref<16384xf32, #tpu.memory_space<vmem>>) dst(%dma_wait3A_133 : memref<16384xf32, #tpu.memory_space<hbm>>)
      } else {
      }
      %add3A_96 = arith.constant 1 : i32
      %add3A_97 = arith.addi %add3A_85, %add3A_96 : i32
      %lt3A_98 = arith.constant 32 : i32
      %lt3A_99 = arith.cmpi slt, %add3A_97, %lt3A_98 : i32
      %convert_element_type3A_100 = arith.extui %lt3A_99 : i1 to i32
      %cond3A_101 = arith.constant 0 : i32
      %cond3A_102 = arith.cmpi ne, %convert_element_type3A_100, %cond3A_101 : i32
      scf.if %cond3A_102 {
        %dma_wait3A_132 = tpu.memref_slice %arg3[%mul3A_2] : memref<16777216xi32, #tpu.memory_space<hbm>> -> memref<16384xi32, #tpu.memory_space<hbm>>
        %dma_wait3A_133 = tpu.memref_slice %arg3[%mul3A_2] : memref<16777216xi32, #tpu.memory_space<hbm>> -> memref<16384xi32, #tpu.memory_space<hbm>>
        tpu.wait_dma2 semaphore(%arg11 : memref<!tpu.dma_semaphore, #tpu.memory_space<semaphore_mem>>) src(%dma_wait3A_133 : memref<16384xi32, #tpu.memory_space<hbm>>) dst(%arg5 : memref<16384xi32, #tpu.memory_space<vmem>>)
        %scan3A_134 = arith.constant 0 : i32
        %scan3A_135 = arith.constant 128 : i32
        %scan3A_136 = arith.addi %scan3A_134, %scan3A_135 : i32
        %scan3A_137 = arith.constant 1 : i32
        scf.for %scan3A_151 = %scan3A_134 to %scan3A_136 step %scan3A_137  : i32 {
          %mul3A_152 = arith.constant 8 : i32
          %mul3A_153 = arith.muli %scan3A_151, %mul3A_152 : i32
          %add3A_154 = arith.constant 0 : i32
          %add3A_155 = arith.addi %mul3A_153, %add3A_154 : i32
          %mul3A_156 = arith.constant 16 : i32
          %mul3A_157 = arith.muli %add3A_155, %mul3A_156 : i32
          %get3A = arith.index_cast %mul3A_157 : i32 to index
          %get3A_158 = tpu.vector_load %arg5[%get3A] {strides = array<i32>} : memref<16384xi32, #tpu.memory_space<vmem>>, vector<16xi32>,
          %get3A_159 = vector.shape_cast %get3A_158 : vector<16xi32> to vector<16xi32>
          %and3A_160 = arith.constant 33554431 : i32
          %and3A_161 = vector.broadcast %and3A_160 : i32 to vector<16xi32>
          %and3A_162 = arith.andi %get3A_159, %and3A_161 : vector<16xi32>
          %swap3A = arith.index_cast %mul3A_157 : i32 to index
          %swap3A_163 = tpu.vector_load %arg7[%swap3A] {strides = array<i32>} : memref<16384xi32, #tpu.memory_space<vmem>>, vector<16xi32>,
          %swap3A_164 = vector.shape_cast %swap3A_163 : vector<16xi32> to vector<16xi32>
          %swap3A_165 = vector.shape_cast %and3A_162 : vector<16xi32> to vector<16xi32>
          tpu.vector_store %arg7[%swap3A], %swap3A_165 {strides = array<i32>} : memref<16384xi32, #tpu.memory_space<vmem>>, vector<16xi32>,
          %mul3A_166 = arith.constant 8 : i32
          %mul3A_167 = arith.muli %scan3A_151, %mul3A_166 : i32
          %add3A_168 = arith.constant 1 : i32
          %add3A_169 = arith.addi %mul3A_167, %add3A_168 : i32
          %mul3A_170 = arith.constant 16 : i32
          %mul3A_171 = arith.muli %add3A_169, %mul3A_170 : i32
          %get3A_172 = arith.index_cast %mul3A_171 : i32 to index
          %get3A_173 = tpu.vector_load %arg5[%get3A_172] {strides = array<i32>} : memref<16384xi32, #tpu.memory_space<vmem>>, vector<16xi32>,
          %get3A_174 = vector.shape_cast %get3A_173 : vector<16xi32> to vector<16xi32>
          %and3A_175 = arith.constant 33554431 : i32
          %and3A_176 = vector.broadcast %and3A_175 : i32 to vector<16xi32>
          %and3A_177 = arith.andi %get3A_174, %and3A_176 : vector<16xi32>
          %swap3A_178 = arith.index_cast %mul3A_171 : i32 to index
          %swap3A_179 = tpu.vector_load %arg7[%swap3A_178] {strides = array<i32>} : memref<16384xi32, #tpu.memory_space<vmem>>, vector<16xi32>,
          %swap3A_180 = vector.shape_cast %swap3A_179 : vector<16xi32> to vector<16xi32>
          %swap3A_181 = vector.shape_cast %and3A_177 : vector<16xi32> to vector<16xi32>
          tpu.vector_store %arg7[%swap3A_178], %swap3A_181 {strides = array<i32>} : memref<16384xi32, #tpu.memory_space<vmem>>, vector<16xi32>,
          %mul3A_182 = arith.constant 8 : i32
          %mul3A_183 = arith.muli %scan3A_151, %mul3A_182 : i32
          %add3A_184 = arith.constant 2 : i32
          %add3A_185 = arith.addi %mul3A_183, %add3A_184 : i32
          %mul3A_186 = arith.constant 16 : i32
          %mul3A_187 = arith.muli %add3A_185, %mul3A_186 : i32
          %get3A_188 = arith.index_cast %mul3A_187 : i32 to index
          %get3A_189 = tpu.vector_load %arg5[%get3A_188] {strides = array<i32>} : memref<16384xi32, #tpu.memory_space<vmem>>, vector<16xi32>,
          %get3A_190 = vector.shape_cast %get3A_189 : vector<16xi32> to vector<16xi32>
          %and3A_191 = arith.constant 33554431 : i32
          %and3A_192 = vector.broadcast %and3A_191 : i32 to vector<16xi32>
          %and3A_193 = arith.andi %get3A_190, %and3A_192 : vector<16xi32>
          %swap3A_194 = arith.index_cast %mul3A_187 : i32 to index
          %swap3A_195 = tpu.vector_load %arg7[%swap3A_194] {strides = array<i32>} : memref<16384xi32, #tpu.memory_space<vmem>>, vector<16xi32>,
          %swap3A_196 = vector.shape_cast %swap3A_195 : vector<16xi32> to vector<16xi32>
          %swap3A_197 = vector.shape_cast %and3A_193 : vector<16xi32> to vector<16xi32>
          tpu.vector_store %arg7[%swap3A_194], %swap3A_197 {strides = array<i32>} : memref<16384xi32, #tpu.memory_space<vmem>>, vector<16xi32>,
          %mul3A_198 = arith.constant 8 : i32
          %mul3A_199 = arith.muli %scan3A_151, %mul3A_198 : i32
          %add3A_200 = arith.constant 3 : i32
          %add3A_201 = arith.addi %mul3A_199, %add3A_200 : i32
          %mul3A_202 = arith.constant 16 : i32
          %mul3A_203 = arith.muli %add3A_201, %mul3A_202 : i32
          %get3A_204 = arith.index_cast %mul3A_203 : i32 to index
          %get3A_205 = tpu.vector_load %arg5[%get3A_204] {strides = array<i32>} : memref<16384xi32, #tpu.memory_space<vmem>>, vector<16xi32>,
          %get3A_206 = vector.shape_cast %get3A_205 : vector<16xi32> to vector<16xi32>
          %and3A_207 = arith.constant 33554431 : i32
          %and3A_208 = vector.broadcast %and3A_207 : i32 to vector<16xi32>
          %and3A_209 = arith.andi %get3A_206, %and3A_208 : vector<16xi32>
          %swap3A_210 = arith.index_cast %mul3A_203 : i32 to index
          %swap3A_211 = tpu.vector_load %arg7[%swap3A_210] {strides = array<i32>} : memref<16384xi32, #tpu.memory_space<vmem>>, vector<16xi32>,
          %swap3A_212 = vector.shape_cast %swap3A_211 : vector<16xi32> to vector<16xi32>
          %swap3A_213 = vector.shape_cast %and3A_209 : vector<16xi32> to vector<16xi32>
          tpu.vector_store %arg7[%swap3A_210], %swap3A_213 {strides = array<i32>} : memref<16384xi32, #tpu.memory_space<vmem>>, vector<16xi32>,
          %mul3A_214 = arith.constant 8 : i32
          %mul3A_215 = arith.muli %scan3A_151, %mul3A_214 : i32
          %add3A_216 = arith.constant 4 : i32
          %add3A_217 = arith.addi %mul3A_215, %add3A_216 : i32
          %mul3A_218 = arith.constant 16 : i32
          %mul3A_219 = arith.muli %add3A_217, %mul3A_218 : i32
          %get3A_220 = arith.index_cast %mul3A_219 : i32 to index
          %get3A_221 = tpu.vector_load %arg5[%get3A_220] {strides = array<i32>} : memref<16384xi32, #tpu.memory_space<vmem>>, vector<16xi32>,
          %get3A_222 = vector.shape_cast %get3A_221 : vector<16xi32> to vector<16xi32>
          %and3A_223 = arith.constant 33554431 : i32
          %and3A_224 = vector.broadcast %and3A_223 : i32 to vector<16xi32>
          %and3A_225 = arith.andi %get3A_222, %and3A_224 : vector<16xi32>
          %swap3A_226 = arith.index_cast %mul3A_219 : i32 to index
          %swap3A_227 = tpu.vector_load %arg7[%swap3A_226] {strides = array<i32>} : memref<16384xi32, #tpu.memory_space<vmem>>, vector<16xi32>,
          %swap3A_228 = vector.shape_cast %swap3A_227 : vector<16xi32> to vector<16xi32>
          %swap3A_229 = vector.shape_cast %and3A_225 : vector<16xi32> to vector<16xi32>
          tpu.vector_store %arg7[%swap3A_226], %swap3A_229 {strides = array<i32>} : memref<16384xi32, #tpu.memory_space<vmem>>, vector<16xi32>,
          %mul3A_230 = arith.constant 8 : i32
          %mul3A_231 = arith.muli %scan3A_151, %mul3A_230 : i32
          %add3A_232 = arith.constant 5 : i32
          %add3A_233 = arith.addi %mul3A_231, %add3A_232 : i32
          %mul3A_234 = arith.constant 16 : i32
          %mul3A_235 = arith.muli %add3A_233, %mul3A_234 : i32
          %get3A_236 = arith.index_cast %mul3A_235 : i32 to index
          %get3A_237 = tpu.vector_load %arg5[%get3A_236] {strides = array<i32>} : memref<16384xi32, #tpu.memory_space<vmem>>, vector<16xi32>,
          %get3A_238 = vector.shape_cast %get3A_237 : vector<16xi32> to vector<16xi32>
          %and3A_239 = arith.constant 33554431 : i32
          %and3A_240 = vector.broadcast %and3A_239 : i32 to vector<16xi32>
          %and3A_241 = arith.andi %get3A_238, %and3A_240 : vector<16xi32>
          %swap3A_242 = arith.index_cast %mul3A_235 : i32 to index
          %swap3A_243 = tpu.vector_load %arg7[%swap3A_242] {strides = array<i32>} : memref<16384xi32, #tpu.memory_space<vmem>>, vector<16xi32>,
          %swap3A_244 = vector.shape_cast %swap3A_243 : vector<16xi32> to vector<16xi32>
          %swap3A_245 = vector.shape_cast %and3A_241 : vector<16xi32> to vector<16xi32>
          tpu.vector_store %arg7[%swap3A_242], %swap3A_245 {strides = array<i32>} : memref<16384xi32, #tpu.memory_space<vmem>>, vector<16xi32>,
          %mul3A_246 = arith.constant 8 : i32
          %mul3A_247 = arith.muli %scan3A_151, %mul3A_246 : i32
          %add3A_248 = arith.constant 6 : i32
          %add3A_249 = arith.addi %mul3A_247, %add3A_248 : i32
          %mul3A_250 = arith.constant 16 : i32
          %mul3A_251 = arith.muli %add3A_249, %mul3A_250 : i32
          %get3A_252 = arith.index_cast %mul3A_251 : i32 to index
          %get3A_253 = tpu.vector_load %arg5[%get3A_252] {strides = array<i32>} : memref<16384xi32, #tpu.memory_space<vmem>>, vector<16xi32>,
          %get3A_254 = vector.shape_cast %get3A_253 : vector<16xi32> to vector<16xi32>
          %and3A_255 = arith.constant 33554431 : i32
          %and3A_256 = vector.broadcast %and3A_255 : i32 to vector<16xi32>
          %and3A_257 = arith.andi %get3A_254, %and3A_256 : vector<16xi32>
          %swap3A_258 = arith.index_cast %mul3A_251 : i32 to index
          %swap3A_259 = tpu.vector_load %arg7[%swap3A_258] {strides = array<i32>} : memref<16384xi32, #tpu.memory_space<vmem>>, vector<16xi32>,
          %swap3A_260 = vector.shape_cast %swap3A_259 : vector<16xi32> to vector<16xi32>
          %swap3A_261 = vector.shape_cast %and3A_257 : vector<16xi32> to vector<16xi32>
          tpu.vector_store %arg7[%swap3A_258], %swap3A_261 {strides = array<i32>} : memref<16384xi32, #tpu.memory_space<vmem>>, vector<16xi32>,
          %mul3A_262 = arith.constant 8 : i32
          %mul3A_263 = arith.muli %scan3A_151, %mul3A_262 : i32
          %add3A_264 = arith.constant 7 : i32
          %add3A_265 = arith.addi %mul3A_263, %add3A_264 : i32
          %mul3A_266 = arith.constant 16 : i32
          %mul3A_267 = arith.muli %add3A_265, %mul3A_266 : i32
          %get3A_268 = arith.index_cast %mul3A_267 : i32 to index
          %get3A_269 = tpu.vector_load %arg5[%get3A_268] {strides = array<i32>} : memref<16384xi32, #tpu.memory_space<vmem>>, vector<16xi32>,
          %get3A_270 = vector.shape_cast %get3A_269 : vector<16xi32> to vector<16xi32>
          %and3A_271 = arith.constant 33554431 : i32
          %and3A_272 = vector.broadcast %and3A_271 : i32 to vector<16xi32>
          %and3A_273 = arith.andi %get3A_270, %and3A_272 : vector<16xi32>
          %swap3A_274 = arith.index_cast %mul3A_267 : i32 to index
          %swap3A_275 = tpu.vector_load %arg7[%swap3A_274] {strides = array<i32>} : memref<16384xi32, #tpu.memory_space<vmem>>, vector<16xi32>,
          %swap3A_276 = vector.shape_cast %swap3A_275 : vector<16xi32> to vector<16xi32>
          %swap3A_277 = vector.shape_cast %and3A_273 : vector<16xi32> to vector<16xi32>
          tpu.vector_store %arg7[%swap3A_274], %swap3A_277 {strides = array<i32>} : memref<16384xi32, #tpu.memory_space<vmem>>, vector<16xi32>,
        }
        %scan3A_138 = arith.constant 128 : i32
        %dma_start3A_139 = arith.constant 0 : i32
        %dma_start3A_140 = tpu.memref_slice %arg9[%dma_start3A_139] : memref<16384xf32, #tpu.memory_space<vmem>> -> memref<8192xf32, #tpu.memory_space<vmem>>
        %dma_start3A_141 = arith.constant 0 : i32
        %dma_start3A_142 = tpu.memref_slice %arg7[%dma_start3A_141] : memref<16384xi32, #tpu.memory_space<vmem>> -> memref<8192xi32, #tpu.memory_space<vmem>>
        %dma_start3A_143 = arith.constant 0 : i32
        %dma_start3A_144 = tpu.memref_slice %arg2[%dma_start3A_143] : memref<25640960xf32, #tpu.memory_space<hbm>> -> memref<25640960xf32, #tpu.memory_space<hbm>>
        tpu.enqueue_indirect_dma source(%dma_start3A_144 : memref<25640960xf32, #tpu.memory_space<hbm>>) target(%dma_start3A_140 : memref<8192xf32, #tpu.memory_space<vmem>>) offsets(%dma_start3A_142 : memref<8192xi32, #tpu.memory_space<vmem>>) semaphore(%arg13 : memref<!tpu.dma_semaphore, #tpu.memory_space<semaphore_mem>>)
        %dma_start3A_145 = arith.constant 8192 : i32
        %dma_start3A_146 = tpu.memref_slice %arg9[%dma_start3A_145] : memref<16384xf32, #tpu.memory_space<vmem>> -> memref<8192xf32, #tpu.memory_space<vmem>>
        %dma_start3A_147 = arith.constant 8192 : i32
        %dma_start3A_148 = tpu.memref_slice %arg7[%dma_start3A_147] : memref<16384xi32, #tpu.memory_space<vmem>> -> memref<8192xi32, #tpu.memory_space<vmem>>
        %dma_start3A_149 = arith.constant 0 : i32
        %dma_start3A_150 = tpu.memref_slice %arg2[%dma_start3A_149] : memref<25640960xf32, #tpu.memory_space<hbm>> -> memref<25640960xf32, #tpu.memory_space<hbm>>
        tpu.enqueue_indirect_dma source(%dma_start3A_150 : memref<25640960xf32, #tpu.memory_space<hbm>>) target(%dma_start3A_146 : memref<8192xf32, #tpu.memory_space<vmem>>) offsets(%dma_start3A_148 : memref<8192xi32, #tpu.memory_space<vmem>>) semaphore(%arg13 : memref<!tpu.dma_semaphore, #tpu.memory_space<semaphore_mem>>)
      } else {
      }
      %dma_wait3A_103 = arith.constant 0 : i32
      %dma_wait3A_104 = tpu.memref_slice %arg10[%dma_wait3A_103] : memref<16384xf32, #tpu.memory_space<vmem>> -> memref<8192xf32, #tpu.memory_space<vmem>>
      %dma_wait3A_105 = arith.constant 0 : i32
      %dma_wait3A_106 = tpu.memref_slice %arg8[%dma_wait3A_105] : memref<16384xi32, #tpu.memory_space<vmem>> -> memref<8192xi32, #tpu.memory_space<vmem>>
      %dma_wait3A_107 = arith.constant 0 : i32
      %dma_wait3A_108 = tpu.memref_slice %arg2[%dma_wait3A_107] : memref<25640960xf32, #tpu.memory_space<hbm>> -> memref<25640960xf32, #tpu.memory_space<hbm>>
      tpu.wait_indirect_dma semaphore(%arg14 : memref<!tpu.dma_semaphore, #tpu.memory_space<semaphore_mem>>) src(%dma_wait3A_108 : memref<25640960xf32, #tpu.memory_space<hbm>>) dst(%dma_wait3A_104 : memref<8192xf32, #tpu.memory_space<vmem>>)
      %dma_wait3A_109 = arith.constant 8192 : i32
      %dma_wait3A_110 = tpu.memref_slice %arg10[%dma_wait3A_109] : memref<16384xf32, #tpu.memory_space<vmem>> -> memref<8192xf32, #tpu.memory_space<vmem>>
      %dma_wait3A_111 = arith.constant 8192 : i32
      %dma_wait3A_112 = tpu.memref_slice %arg8[%dma_wait3A_111] : memref<16384xi32, #tpu.memory_space<vmem>> -> memref<8192xi32, #tpu.memory_space<vmem>>
      %dma_wait3A_113 = arith.constant 0 : i32
      %dma_wait3A_114 = tpu.memref_slice %arg2[%dma_wait3A_113] : memref<25640960xf32, #tpu.memory_space<hbm>> -> memref<25640960xf32, #tpu.memory_space<hbm>>
      tpu.wait_indirect_dma semaphore(%arg14 : memref<!tpu.dma_semaphore, #tpu.memory_space<semaphore_mem>>) src(%dma_wait3A_114 : memref<25640960xf32, #tpu.memory_space<hbm>>) dst(%dma_wait3A_110 : memref<8192xf32, #tpu.memory_space<vmem>>)
      %scan3A_115 = arith.constant 0 : i32
      %scan3A_116 = arith.constant 128 : i32
      %scan3A_117 = arith.addi %scan3A_115, %scan3A_116 : i32
      %scan3A_118 = arith.constant 1 : i32
      scf.for %scan3A_132 = %scan3A_115 to %scan3A_117 step %scan3A_118  : i32 {
        %mul3A_133 = arith.constant 8 : i32
        %mul3A_134 = arith.muli %scan3A_132, %mul3A_133 : i32
        %add3A_135 = arith.constant 0 : i32
        %add3A_136 = arith.addi %mul3A_134, %add3A_135 : i32
        %mul3A_137 = arith.constant 16 : i32
        %mul3A_138 = arith.muli %add3A_136, %mul3A_137 : i32
        %get3A = arith.index_cast %mul3A_138 : i32 to index
        %get3A_139 = tpu.vector_load %arg6[%get3A] {strides = array<i32>} : memref<16384xi32, #tpu.memory_space<vmem>>, vector<16xi32>,
        %get3A_140 = vector.shape_cast %get3A_139 : vector<16xi32> to vector<16xi32>
        %and3A_141 = arith.constant 33554432 : i32
        %and3A_142 = vector.broadcast %and3A_141 : i32 to vector<16xi32>
        %and3A_143 = arith.andi %get3A_140, %and3A_142 : vector<16xi32>
        %shift_left3A = arith.constant 6 : i32
        %shift_left3A_144 = vector.broadcast %shift_left3A : i32 to vector<16xi32>
        %shift_left3A_145 = arith.shli %and3A_143, %shift_left3A_144 : vector<16xi32>
        %get3A_146 = arith.index_cast %mul3A_138 : i32 to index
        %get3A_147 = tpu.vector_load %arg10[%get3A_146] {strides = array<i32>} : memref<16384xf32, #tpu.memory_space<vmem>>, vector<16xf32>,
        %get3A_148 = vector.shape_cast %get3A_147 : vector<16xf32> to vector<16xf32>
        %bitcast_convert_type3A = tpu.bitcast %get3A_148 : vector<16xf32> -> vector<16xi32>
        %xor3A = arith.xori %bitcast_convert_type3A, %shift_left3A_145 : vector<16xi32>
        %bitcast_convert_type3A_149 = tpu.bitcast %xor3A : vector<16xi32> -> vector<16xf32>
        %swap3A = arith.index_cast %mul3A_138 : i32 to index
        %swap3A_150 = tpu.vector_load %arg10[%swap3A] {strides = array<i32>} : memref<16384xf32, #tpu.memory_space<vmem>>, vector<16xf32>,
        %swap3A_151 = vector.shape_cast %swap3A_150 : vector<16xf32> to vector<16xf32>
        %swap3A_152 = vector.shape_cast %bitcast_convert_type3A_149 : vector<16xf32> to vector<16xf32>
        tpu.vector_store %arg10[%swap3A], %swap3A_152 {strides = array<i32>} : memref<16384xf32, #tpu.memory_space<vmem>>, vector<16xf32>,
        %mul3A_153 = arith.constant 8 : i32
        %mul3A_154 = arith.muli %scan3A_132, %mul3A_153 : i32
        %add3A_155 = arith.constant 1 : i32
        %add3A_156 = arith.addi %mul3A_154, %add3A_155 : i32
        %mul3A_157 = arith.constant 16 : i32
        %mul3A_158 = arith.muli %add3A_156, %mul3A_157 : i32
        %get3A_159 = arith.index_cast %mul3A_158 : i32 to index
        %get3A_160 = tpu.vector_load %arg6[%get3A_159] {strides = array<i32>} : memref<16384xi32, #tpu.memory_space<vmem>>, vector<16xi32>,
        %get3A_161 = vector.shape_cast %get3A_160 : vector<16xi32> to vector<16xi32>
        %and3A_162 = arith.constant 33554432 : i32
        %and3A_163 = vector.broadcast %and3A_162 : i32 to vector<16xi32>
        %and3A_164 = arith.andi %get3A_161, %and3A_163 : vector<16xi32>
        %shift_left3A_165 = arith.constant 6 : i32
        %shift_left3A_166 = vector.broadcast %shift_left3A_165 : i32 to vector<16xi32>
        %shift_left3A_167 = arith.shli %and3A_164, %shift_left3A_166 : vector<16xi32>
        %get3A_168 = arith.index_cast %mul3A_158 : i32 to index
        %get3A_169 = tpu.vector_load %arg10[%get3A_168] {strides = array<i32>} : memref<16384xf32, #tpu.memory_space<vmem>>, vector<16xf32>,
        %get3A_170 = vector.shape_cast %get3A_169 : vector<16xf32> to vector<16xf32>
        %bitcast_convert_type3A_171 = tpu.bitcast %get3A_170 : vector<16xf32> -> vector<16xi32>
        %xor3A_172 = arith.xori %bitcast_convert_type3A_171, %shift_left3A_167 : vector<16xi32>
        %bitcast_convert_type3A_173 = tpu.bitcast %xor3A_172 : vector<16xi32> -> vector<16xf32>
        %swap3A_174 = arith.index_cast %mul3A_158 : i32 to index
        %swap3A_175 = tpu.vector_load %arg10[%swap3A_174] {strides = array<i32>} : memref<16384xf32, #tpu.memory_space<vmem>>, vector<16xf32>,
        %swap3A_176 = vector.shape_cast %swap3A_175 : vector<16xf32> to vector<16xf32>
        %swap3A_177 = vector.shape_cast %bitcast_convert_type3A_173 : vector<16xf32> to vector<16xf32>
        tpu.vector_store %arg10[%swap3A_174], %swap3A_177 {strides = array<i32>} : memref<16384xf32, #tpu.memory_space<vmem>>, vector<16xf32>,
        %mul3A_178 = arith.constant 8 : i32
        %mul3A_179 = arith.muli %scan3A_132, %mul3A_178 : i32
        %add3A_180 = arith.constant 2 : i32
        %add3A_181 = arith.addi %mul3A_179, %add3A_180 : i32
        %mul3A_182 = arith.constant 16 : i32
        %mul3A_183 = arith.muli %add3A_181, %mul3A_182 : i32
        %get3A_184 = arith.index_cast %mul3A_183 : i32 to index
        %get3A_185 = tpu.vector_load %arg6[%get3A_184] {strides = array<i32>} : memref<16384xi32, #tpu.memory_space<vmem>>, vector<16xi32>,
        %get3A_186 = vector.shape_cast %get3A_185 : vector<16xi32> to vector<16xi32>
        %and3A_187 = arith.constant 33554432 : i32
        %and3A_188 = vector.broadcast %and3A_187 : i32 to vector<16xi32>
        %and3A_189 = arith.andi %get3A_186, %and3A_188 : vector<16xi32>
        %shift_left3A_190 = arith.constant 6 : i32
        %shift_left3A_191 = vector.broadcast %shift_left3A_190 : i32 to vector<16xi32>
        %shift_left3A_192 = arith.shli %and3A_189, %shift_left3A_191 : vector<16xi32>
        %get3A_193 = arith.index_cast %mul3A_183 : i32 to index
        %get3A_194 = tpu.vector_load %arg10[%get3A_193] {strides = array<i32>} : memref<16384xf32, #tpu.memory_space<vmem>>, vector<16xf32>,
        %get3A_195 = vector.shape_cast %get3A_194 : vector<16xf32> to vector<16xf32>
        %bitcast_convert_type3A_196 = tpu.bitcast %get3A_195 : vector<16xf32> -> vector<16xi32>
        %xor3A_197 = arith.xori %bitcast_convert_type3A_196, %shift_left3A_192 : vector<16xi32>
        %bitcast_convert_type3A_198 = tpu.bitcast %xor3A_197 : vector<16xi32> -> vector<16xf32>
        %swap3A_199 = arith.index_cast %mul3A_183 : i32 to index
        %swap3A_200 = tpu.vector_load %arg10[%swap3A_199] {strides = array<i32>} : memref<16384xf32, #tpu.memory_space<vmem>>, vector<16xf32>,
        %swap3A_201 = vector.shape_cast %swap3A_200 : vector<16xf32> to vector<16xf32>
        %swap3A_202 = vector.shape_cast %bitcast_convert_type3A_198 : vector<16xf32> to vector<16xf32>
        tpu.vector_store %arg10[%swap3A_199], %swap3A_202 {strides = array<i32>} : memref<16384xf32, #tpu.memory_space<vmem>>, vector<16xf32>,
        %mul3A_203 = arith.constant 8 : i32
        %mul3A_204 = arith.muli %scan3A_132, %mul3A_203 : i32
        %add3A_205 = arith.constant 3 : i32
        %add3A_206 = arith.addi %mul3A_204, %add3A_205 : i32
        %mul3A_207 = arith.constant 16 : i32
        %mul3A_208 = arith.muli %add3A_206, %mul3A_207 : i32
        %get3A_209 = arith.index_cast %mul3A_208 : i32 to index
        %get3A_210 = tpu.vector_load %arg6[%get3A_209] {strides = array<i32>} : memref<16384xi32, #tpu.memory_space<vmem>>, vector<16xi32>,
        %get3A_211 = vector.shape_cast %get3A_210 : vector<16xi32> to vector<16xi32>
        %and3A_212 = arith.constant 33554432 : i32
        %and3A_213 = vector.broadcast %and3A_212 : i32 to vector<16xi32>
        %and3A_214 = arith.andi %get3A_211, %and3A_213 : vector<16xi32>
        %shift_left3A_215 = arith.constant 6 : i32
        %shift_left3A_216 = vector.broadcast %shift_left3A_215 : i32 to vector<16xi32>
        %shift_left3A_217 = arith.shli %and3A_214, %shift_left3A_216 : vector<16xi32>
        %get3A_218 = arith.index_cast %mul3A_208 : i32 to index
        %get3A_219 = tpu.vector_load %arg10[%get3A_218] {strides = array<i32>} : memref<16384xf32, #tpu.memory_space<vmem>>, vector<16xf32>,
        %get3A_220 = vector.shape_cast %get3A_219 : vector<16xf32> to vector<16xf32>
        %bitcast_convert_type3A_221 = tpu.bitcast %get3A_220 : vector<16xf32> -> vector<16xi32>
        %xor3A_222 = arith.xori %bitcast_convert_type3A_221, %shift_left3A_217 : vector<16xi32>
        %bitcast_convert_type3A_223 = tpu.bitcast %xor3A_222 : vector<16xi32> -> vector<16xf32>
        %swap3A_224 = arith.index_cast %mul3A_208 : i32 to index
        %swap3A_225 = tpu.vector_load %arg10[%swap3A_224] {strides = array<i32>} : memref<16384xf32, #tpu.memory_space<vmem>>, vector<16xf32>,
        %swap3A_226 = vector.shape_cast %swap3A_225 : vector<16xf32> to vector<16xf32>
        %swap3A_227 = vector.shape_cast %bitcast_convert_type3A_223 : vector<16xf32> to vector<16xf32>
        tpu.vector_store %arg10[%swap3A_224], %swap3A_227 {strides = array<i32>} : memref<16384xf32, #tpu.memory_space<vmem>>, vector<16xf32>,
        %mul3A_228 = arith.constant 8 : i32
        %mul3A_229 = arith.muli %scan3A_132, %mul3A_228 : i32
        %add3A_230 = arith.constant 4 : i32
        %add3A_231 = arith.addi %mul3A_229, %add3A_230 : i32
        %mul3A_232 = arith.constant 16 : i32
        %mul3A_233 = arith.muli %add3A_231, %mul3A_232 : i32
        %get3A_234 = arith.index_cast %mul3A_233 : i32 to index
        %get3A_235 = tpu.vector_load %arg6[%get3A_234] {strides = array<i32>} : memref<16384xi32, #tpu.memory_space<vmem>>, vector<16xi32>,
        %get3A_236 = vector.shape_cast %get3A_235 : vector<16xi32> to vector<16xi32>
        %and3A_237 = arith.constant 33554432 : i32
        %and3A_238 = vector.broadcast %and3A_237 : i32 to vector<16xi32>
        %and3A_239 = arith.andi %get3A_236, %and3A_238 : vector<16xi32>
        %shift_left3A_240 = arith.constant 6 : i32
        %shift_left3A_241 = vector.broadcast %shift_left3A_240 : i32 to vector<16xi32>
        %shift_left3A_242 = arith.shli %and3A_239, %shift_left3A_241 : vector<16xi32>
        %get3A_243 = arith.index_cast %mul3A_233 : i32 to index
        %get3A_244 = tpu.vector_load %arg10[%get3A_243] {strides = array<i32>} : memref<16384xf32, #tpu.memory_space<vmem>>, vector<16xf32>,
        %get3A_245 = vector.shape_cast %get3A_244 : vector<16xf32> to vector<16xf32>
        %bitcast_convert_type3A_246 = tpu.bitcast %get3A_245 : vector<16xf32> -> vector<16xi32>
        %xor3A_247 = arith.xori %bitcast_convert_type3A_246, %shift_left3A_242 : vector<16xi32>
        %bitcast_convert_type3A_248 = tpu.bitcast %xor3A_247 : vector<16xi32> -> vector<16xf32>
        %swap3A_249 = arith.index_cast %mul3A_233 : i32 to index
        %swap3A_250 = tpu.vector_load %arg10[%swap3A_249] {strides = array<i32>} : memref<16384xf32, #tpu.memory_space<vmem>>, vector<16xf32>,
        %swap3A_251 = vector.shape_cast %swap3A_250 : vector<16xf32> to vector<16xf32>
        %swap3A_252 = vector.shape_cast %bitcast_convert_type3A_248 : vector<16xf32> to vector<16xf32>
        tpu.vector_store %arg10[%swap3A_249], %swap3A_252 {strides = array<i32>} : memref<16384xf32, #tpu.memory_space<vmem>>, vector<16xf32>,
        %mul3A_253 = arith.constant 8 : i32
        %mul3A_254 = arith.muli %scan3A_132, %mul3A_253 : i32
        %add3A_255 = arith.constant 5 : i32
        %add3A_256 = arith.addi %mul3A_254, %add3A_255 : i32
        %mul3A_257 = arith.constant 16 : i32
        %mul3A_258 = arith.muli %add3A_256, %mul3A_257 : i32
        %get3A_259 = arith.index_cast %mul3A_258 : i32 to index
        %get3A_260 = tpu.vector_load %arg6[%get3A_259] {strides = array<i32>} : memref<16384xi32, #tpu.memory_space<vmem>>, vector<16xi32>,
        %get3A_261 = vector.shape_cast %get3A_260 : vector<16xi32> to vector<16xi32>
        %and3A_262 = arith.constant 33554432 : i32
        %and3A_263 = vector.broadcast %and3A_262 : i32 to vector<16xi32>
        %and3A_264 = arith.andi %get3A_261, %and3A_263 : vector<16xi32>
        %shift_left3A_265 = arith.constant 6 : i32
        %shift_left3A_266 = vector.broadcast %shift_left3A_265 : i32 to vector<16xi32>
        %shift_left3A_267 = arith.shli %and3A_264, %shift_left3A_266 : vector<16xi32>
        %get3A_268 = arith.index_cast %mul3A_258 : i32 to index
        %get3A_269 = tpu.vector_load %arg10[%get3A_268] {strides = array<i32>} : memref<16384xf32, #tpu.memory_space<vmem>>, vector<16xf32>,
        %get3A_270 = vector.shape_cast %get3A_269 : vector<16xf32> to vector<16xf32>
        %bitcast_convert_type3A_271 = tpu.bitcast %get3A_270 : vector<16xf32> -> vector<16xi32>
        %xor3A_272 = arith.xori %bitcast_convert_type3A_271, %shift_left3A_267 : vector<16xi32>
        %bitcast_convert_type3A_273 = tpu.bitcast %xor3A_272 : vector<16xi32> -> vector<16xf32>
        %swap3A_274 = arith.index_cast %mul3A_258 : i32 to index
        %swap3A_275 = tpu.vector_load %arg10[%swap3A_274] {strides = array<i32>} : memref<16384xf32, #tpu.memory_space<vmem>>, vector<16xf32>,
        %swap3A_276 = vector.shape_cast %swap3A_275 : vector<16xf32> to vector<16xf32>
        %swap3A_277 = vector.shape_cast %bitcast_convert_type3A_273 : vector<16xf32> to vector<16xf32>
        tpu.vector_store %arg10[%swap3A_274], %swap3A_277 {strides = array<i32>} : memref<16384xf32, #tpu.memory_space<vmem>>, vector<16xf32>,
        %mul3A_278 = arith.constant 8 : i32
        %mul3A_279 = arith.muli %scan3A_132, %mul3A_278 : i32
        %add3A_280 = arith.constant 6 : i32
        %add3A_281 = arith.addi %mul3A_279, %add3A_280 : i32
        %mul3A_282 = arith.constant 16 : i32
        %mul3A_283 = arith.muli %add3A_281, %mul3A_282 : i32
        %get3A_284 = arith.index_cast %mul3A_283 : i32 to index
        %get3A_285 = tpu.vector_load %arg6[%get3A_284] {strides = array<i32>} : memref<16384xi32, #tpu.memory_space<vmem>>, vector<16xi32>,
        %get3A_286 = vector.shape_cast %get3A_285 : vector<16xi32> to vector<16xi32>
        %and3A_287 = arith.constant 33554432 : i32
        %and3A_288 = vector.broadcast %and3A_287 : i32 to vector<16xi32>
        %and3A_289 = arith.andi %get3A_286, %and3A_288 : vector<16xi32>
        %shift_left3A_290 = arith.constant 6 : i32
        %shift_left3A_291 = vector.broadcast %shift_left3A_290 : i32 to vector<16xi32>
        %shift_left3A_292 = arith.shli %and3A_289, %shift_left3A_291 : vector<16xi32>
        %get3A_293 = arith.index_cast %mul3A_283 : i32 to index
        %get3A_294 = tpu.vector_load %arg10[%get3A_293] {strides = array<i32>} : memref<16384xf32, #tpu.memory_space<vmem>>, vector<16xf32>,
        %get3A_295 = vector.shape_cast %get3A_294 : vector<16xf32> to vector<16xf32>
        %bitcast_convert_type3A_296 = tpu.bitcast %get3A_295 : vector<16xf32> -> vector<16xi32>
        %xor3A_297 = arith.xori %bitcast_convert_type3A_296, %shift_left3A_292 : vector<16xi32>
        %bitcast_convert_type3A_298 = tpu.bitcast %xor3A_297 : vector<16xi32> -> vector<16xf32>
        %swap3A_299 = arith.index_cast %mul3A_283 : i32 to index
        %swap3A_300 = tpu.vector_load %arg10[%swap3A_299] {strides = array<i32>} : memref<16384xf32, #tpu.memory_space<vmem>>, vector<16xf32>,
        %swap3A_301 = vector.shape_cast %swap3A_300 : vector<16xf32> to vector<16xf32>
        %swap3A_302 = vector.shape_cast %bitcast_convert_type3A_298 : vector<16xf32> to vector<16xf32>
        tpu.vector_store %arg10[%swap3A_299], %swap3A_302 {strides = array<i32>} : memref<16384xf32, #tpu.memory_space<vmem>>, vector<16xf32>,
        %mul3A_303 = arith.constant 8 : i32
        %mul3A_304 = arith.muli %scan3A_132, %mul3A_303 : i32
        %add3A_305 = arith.constant 7 : i32
        %add3A_306 = arith.addi %mul3A_304, %add3A_305 : i32
        %mul3A_307 = arith.constant 16 : i32
        %mul3A_308 = arith.muli %add3A_306, %mul3A_307 : i32
        %get3A_309 = arith.index_cast %mul3A_308 : i32 to index
        %get3A_310 = tpu.vector_load %arg6[%get3A_309] {strides = array<i32>} : memref<16384xi32, #tpu.memory_space<vmem>>, vector<16xi32>,
        %get3A_311 = vector.shape_cast %get3A_310 : vector<16xi32> to vector<16xi32>
        %and3A_312 = arith.constant 33554432 : i32
        %and3A_313 = vector.broadcast %and3A_312 : i32 to vector<16xi32>
        %and3A_314 = arith.andi %get3A_311, %and3A_313 : vector<16xi32>
        %shift_left3A_315 = arith.constant 6 : i32
        %shift_left3A_316 = vector.broadcast %shift_left3A_315 : i32 to vector<16xi32>
        %shift_left3A_317 = arith.shli %and3A_314, %shift_left3A_316 : vector<16xi32>
        %get3A_318 = arith.index_cast %mul3A_308 : i32 to index
        %get3A_319 = tpu.vector_load %arg10[%get3A_318] {strides = array<i32>} : memref<16384xf32, #tpu.memory_space<vmem>>, vector<16xf32>,
        %get3A_320 = vector.shape_cast %get3A_319 : vector<16xf32> to vector<16xf32>
        %bitcast_convert_type3A_321 = tpu.bitcast %get3A_320 : vector<16xf32> -> vector<16xi32>
        %xor3A_322 = arith.xori %bitcast_convert_type3A_321, %shift_left3A_317 : vector<16xi32>
        %bitcast_convert_type3A_323 = tpu.bitcast %xor3A_322 : vector<16xi32> -> vector<16xf32>
        %swap3A_324 = arith.index_cast %mul3A_308 : i32 to index
        %swap3A_325 = tpu.vector_load %arg10[%swap3A_324] {strides = array<i32>} : memref<16384xf32, #tpu.memory_space<vmem>>, vector<16xf32>,
        %swap3A_326 = vector.shape_cast %swap3A_325 : vector<16xf32> to vector<16xf32>
        %swap3A_327 = vector.shape_cast %bitcast_convert_type3A_323 : vector<16xf32> to vector<16xf32>
        tpu.vector_store %arg10[%swap3A_324], %swap3A_327 {strides = array<i32>} : memref<16384xf32, #tpu.memory_space<vmem>>, vector<16xf32>,
      }
      %scan3A_119 = arith.constant 128 : i32
      %mul3A_120 = arith.constant 16384 : i32
      %mul3A_121 = arith.muli %add3A_85, %mul3A_120 : i32
      %add3A_122 = arith.addi %mul3A_2, %mul3A_121 : i32
      %dma_start3A_123 = tpu.memref_slice %arg4[%add3A_122] : memref<16777216xf32, #tpu.memory_space<hbm>> -> memref<16384xf32, #tpu.memory_space<hbm>>
      %dma_start3A_124 = tpu.memref_slice %arg4[%add3A_122] : memref<16777216xf32, #tpu.memory_space<hbm>> -> memref<16384xf32, #tpu.memory_space<hbm>>
      tpu.enqueue_dma source(%arg10 : memref<16384xf32, #tpu.memory_space<vmem>>) target(%dma_start3A_124 : memref<16384xf32, #tpu.memory_space<hbm>>) target_semaphore(%arg16 : memref<!tpu.dma_semaphore, #tpu.memory_space<semaphore_mem>>)
      %add3A_125 = arith.constant 2 : i32
      %add3A_126 = arith.addi %add3A_85, %add3A_125 : i32
      %lt3A_127 = arith.constant 32 : i32
      %lt3A_128 = arith.cmpi slt, %add3A_126, %lt3A_127 : i32
      %convert_element_type3A_129 = arith.extui %lt3A_128 : i1 to i32
      %cond3A_130 = arith.constant 0 : i32
      %cond3A_131 = arith.cmpi ne, %convert_element_type3A_129, %cond3A_130 : i32
      scf.if %cond3A_131 {
        %add3A_132 = arith.constant 2 : i32
        %add3A_133 = arith.addi %add3A_85, %add3A_132 : i32
        %mul3A_134 = arith.constant 16384 : i32
        %mul3A_135 = arith.muli %add3A_133, %mul3A_134 : i32
        %add3A_136 = arith.addi %mul3A_2, %mul3A_135 : i32
        %dma_start3A_137 = tpu.memref_slice %arg3[%add3A_136] : memref<16777216xi32, #tpu.memory_space<hbm>> -> memref<16384xi32, #tpu.memory_space<hbm>>
        %dma_start3A_138 = tpu.memref_slice %arg3[%add3A_136] : memref<16777216xi32, #tpu.memory_space<hbm>> -> memref<16384xi32, #tpu.memory_space<hbm>>
        tpu.enqueue_dma source(%dma_start3A_138 : memref<16384xi32, #tpu.memory_space<hbm>>) target(%arg6 : memref<16384xi32, #tpu.memory_space<vmem>>) target_semaphore(%arg12 : memref<!tpu.dma_semaphore, #tpu.memory_space<semaphore_mem>>)
      } else {
      }
    }
    %scan3A_31 = arith.constant 16 : i32
    %dma_wait3A_32 = tpu.memref_slice %arg4[%mul3A_2] : memref<16777216xf32, #tpu.memory_space<hbm>> -> memref<16384xf32, #tpu.memory_space<hbm>>
    %dma_wait3A_33 = tpu.memref_slice %arg4[%mul3A_2] : memref<16777216xf32, #tpu.memory_space<hbm>> -> memref<16384xf32, #tpu.memory_space<hbm>>
    tpu.wait_dma2 semaphore(%arg15 : memref<!tpu.dma_semaphore, #tpu.memory_space<semaphore_mem>>) src(%arg9 : memref<16384xf32, #tpu.memory_space<vmem>>) dst(%dma_wait3A_33 : memref<16384xf32, #tpu.memory_space<hbm>>)
    %dma_wait3A_34 = tpu.memref_slice %arg4[%mul3A_2] : memref<16777216xf32, #tpu.memory_space<hbm>> -> memref<16384xf32, #tpu.memory_space<hbm>>
    %dma_wait3A_35 = tpu.memref_slice %arg4[%mul3A_2] : memref<16777216xf32, #tpu.memory_space<hbm>> -> memref<16384xf32, #tpu.memory_space<hbm>>
    tpu.wait_dma2 semaphore(%arg16 : memref<!tpu.dma_semaphore, #tpu.memory_space<semaphore_mem>>) src(%arg10 : memref<16384xf32, #tpu.memory_space<vmem>>) dst(%dma_wait3A_35 : memref<16384xf32, #tpu.memory_space<hbm>>)
    return
  }
}

module attributes {stable_mosaic.version = 14 : i64} {
  func.func @_bin_kernel(%arg0: i32, %arg1: memref<524288xf32, #tpu.memory_space<vmem>>, %arg2: memref<524288xf32, #tpu.memory_space<vmem>>, %arg3: memref<524288xi32, #tpu.memory_space<vmem>>) attributes {dimension_semantics = [#tpu.dimension_semantics<arbitrary>], iteration_bounds = array<i64: 32>, scalar_prefetch = 0 : i64, scratch_operands = 0 : i64, tpu.core_type = #tpu.core_type<tc>, window_params = [{transform_indices = @transform_0, window_bounds = array<i64: 524288>}, {transform_indices = @transform_1, window_bounds = array<i64: 524288>}, {transform_indices = @transform_2, window_bounds = array<i64: 524288>}]} {
    %get3A = arith.constant 0 : index
    %get3A_0 = vector.load %arg1[%get3A] : memref<524288xf32, #tpu.memory_space<vmem>>, vector<524288xf32>
    %get3A_1 = arith.constant 0 : index
    %get3A_2 = vector.load %arg2[%get3A_1] : memref<524288xf32, #tpu.memory_space<vmem>>, vector<524288xf32>
    %add3A = arith.constant 3.14159274 : f32
    %add3A_3 = vector.broadcast %add3A : f32 to vector<524288xf32>
    %add3A_4 = arith.addf %get3A_0, %add3A_3 : vector<524288xf32>
    %jit3A = arith.constant 6.28318548 : f32
    %rem3A = vector.broadcast %jit3A : f32 to vector<524288xf32>
    %rem3A_5 = arith.remf %add3A_4, %rem3A : vector<524288xf32>
    %ne3A = arith.constant 0.000000e+00 : f32
    %ne3A_6 = vector.broadcast %ne3A : f32 to vector<524288xf32>
    %ne3A_7 = arith.cmpf one, %rem3A_5, %ne3A_6 : vector<524288xf32>
    %lt3A = arith.constant 0.000000e+00 : f32
    %lt3A_8 = vector.broadcast %lt3A : f32 to vector<524288xf32>
    %lt3A_9 = arith.cmpf olt, %rem3A_5, %lt3A_8 : vector<524288xf32>
    %lt3A_10 = arith.constant 0.000000e+00 : f32
    %lt3A_11 = arith.cmpf olt, %jit3A, %lt3A_10 : f32
    %ne3A_12 = vector.broadcast %lt3A_11 : i1 to vector<524288xi1>
    %ne3A_13 = vector.broadcast %ne3A_12 : vector<524288xi1> to vector<524288xi1>
    %ne3A_14 = arith.xori %lt3A_9, %ne3A_13 : vector<524288xi1>
    %and3A = arith.andi %ne3A_14, %ne3A_7 : vector<524288xi1>
    %add3A_15 = vector.broadcast %jit3A : f32 to vector<524288xf32>
    %add3A_16 = arith.addf %rem3A_5, %add3A_15 : vector<524288xf32>
    %select_n3A = arith.select %and3A, %add3A_16, %rem3A_5 : vector<524288xi1>, vector<524288xf32>
    %sub3A = arith.constant 3.14159274 : f32
    %sub3A_17 = vector.broadcast %sub3A : f32 to vector<524288xf32>
    %sub3A_18 = arith.subf %select_n3A, %sub3A_17 : vector<524288xf32>
    %abs3A = math.absf %sub3A_18 : vector<524288xf32>
    %div3A = arith.constant 3.14159274 : f32
    %div3A_19 = vector.broadcast %div3A : f32 to vector<524288xf32>
    %div3A_20 = arith.divf %abs3A, %div3A_19 : vector<524288xf32>
    %add3A_21 = arith.constant 1.000000e-10 : f32
    %add3A_22 = vector.broadcast %add3A_21 : f32 to vector<524288xf32>
    %add3A_23 = arith.addf %div3A_20, %add3A_22 : vector<524288xf32>
    %log3A = math.log %add3A_23 : vector<524288xf32>
    %add3A_24 = arith.constant 11.5129251 : f32
    %add3A_25 = vector.broadcast %add3A_24 : f32 to vector<524288xf32>
    %add3A_26 = arith.addf %log3A, %add3A_25 : vector<524288xf32>
    %mul3A = arith.constant 434.294495 : f32
    %mul3A_27 = vector.broadcast %mul3A : f32 to vector<524288xf32>
    %mul3A_28 = arith.mulf %add3A_26, %mul3A_27 : vector<524288xf32>
    %jit3A_29 = arith.constant 0 : i32
    %jit3A_30 = arith.constant 5000 : i32
    %convert_element_type3A = arith.sitofp %jit3A_29 : i32 to f32
    %max3A = vector.broadcast %convert_element_type3A : f32 to vector<524288xf32>
    %max3A_31 = arith.maximumf %max3A, %mul3A_28 : vector<524288xf32>
    %convert_element_type3A_32 = arith.sitofp %jit3A_30 : i32 to f32
    %min3A = vector.broadcast %convert_element_type3A_32 : f32 to vector<524288xf32>
    %min3A_33 = arith.minimumf %min3A, %max3A_31 : vector<524288xf32>
    %round3A = math.roundeven %min3A_33 : vector<524288xf32>
    %convert_element_type3A_34 = arith.fptosi %round3A : vector<524288xf32> to vector<524288xi32>
    %div3A_35 = arith.constant 3.14159274 : f32
    %div3A_36 = vector.broadcast %div3A_35 : f32 to vector<524288xf32>
    %div3A_37 = arith.divf %get3A_2, %div3A_36 : vector<524288xf32>
    %log3A_38 = math.log %div3A_37 : vector<524288xf32>
    %add3A_39 = arith.constant 5.80914306 : f32
    %add3A_40 = vector.broadcast %add3A_39 : f32 to vector<524288xf32>
    %add3A_41 = arith.addf %log3A_38, %add3A_40 : vector<524288xf32>
    %mul3A_42 = arith.constant 768.959839 : f32
    %mul3A_43 = vector.broadcast %mul3A_42 : f32 to vector<524288xf32>
    %mul3A_44 = arith.mulf %add3A_41, %mul3A_43 : vector<524288xf32>
    %jit3A_45 = arith.constant 0 : i32
    %jit3A_46 = arith.constant 5000 : i32
    %convert_element_type3A_47 = arith.sitofp %jit3A_45 : i32 to f32
    %max3A_48 = vector.broadcast %convert_element_type3A_47 : f32 to vector<524288xf32>
    %max3A_49 = arith.maximumf %max3A_48, %mul3A_44 : vector<524288xf32>
    %convert_element_type3A_50 = arith.sitofp %jit3A_46 : i32 to f32
    %min3A_51 = vector.broadcast %convert_element_type3A_50 : f32 to vector<524288xf32>
    %min3A_52 = arith.minimumf %min3A_51, %max3A_49 : vector<524288xf32>
    %round3A_53 = math.roundeven %min3A_52 : vector<524288xf32>
    %convert_element_type3A_54 = arith.fptosi %round3A_53 : vector<524288xf32> to vector<524288xi32>
    %eq3A = arith.constant 0.000000e+00 : f32
    %eq3A_55 = vector.broadcast %eq3A : f32 to vector<524288xf32>
    %eq3A_56 = arith.cmpf oeq, %sub3A_18, %eq3A_55 : vector<524288xf32>
    %jit3A_57 = arith.constant 5001 : i32
    %broadcast_in_dim3A = vector.broadcast %jit3A_57 : i32 to vector<524288xi32>
    %select_n3A_58 = arith.select %eq3A_56, %broadcast_in_dim3A, %convert_element_type3A_34 : vector<524288xi1>, vector<524288xi32>
    %shift_right_arithmetic3A = arith.constant 3 : i32
    %shift_right_arithmetic3A_59 = vector.broadcast %shift_right_arithmetic3A : i32 to vector<524288xi32>
    %shift_right_arithmetic3A_60 = arith.shrsi %convert_element_type3A_54, %shift_right_arithmetic3A_59 : vector<524288xi32>
    %mul3A_61 = arith.constant 40 : i32
    %mul3A_62 = vector.broadcast %mul3A_61 : i32 to vector<524288xi32>
    %mul3A_63 = arith.muli %shift_right_arithmetic3A_60, %mul3A_62 : vector<524288xi32>
    %shift_right_arithmetic3A_64 = arith.constant 7 : i32
    %shift_right_arithmetic3A_65 = vector.broadcast %shift_right_arithmetic3A_64 : i32 to vector<524288xi32>
    %shift_right_arithmetic3A_66 = arith.shrsi %select_n3A_58, %shift_right_arithmetic3A_65 : vector<524288xi32>
    %add3A_67 = arith.addi %mul3A_63, %shift_right_arithmetic3A_66 : vector<524288xi32>
    %mul3A_68 = arith.constant 1024 : i32
    %mul3A_69 = vector.broadcast %mul3A_68 : i32 to vector<524288xi32>
    %mul3A_70 = arith.muli %add3A_67, %mul3A_69 : vector<524288xi32>
    %and3A_71 = arith.constant 7 : i32
    %and3A_72 = vector.broadcast %and3A_71 : i32 to vector<524288xi32>
    %and3A_73 = arith.andi %convert_element_type3A_54, %and3A_72 : vector<524288xi32>
    %shift_left3A = arith.constant 7 : i32
    %shift_left3A_74 = vector.broadcast %shift_left3A : i32 to vector<524288xi32>
    %shift_left3A_75 = arith.shli %and3A_73, %shift_left3A_74 : vector<524288xi32>
    %add3A_76 = arith.addi %mul3A_70, %shift_left3A_75 : vector<524288xi32>
    %and3A_77 = arith.constant 127 : i32
    %and3A_78 = vector.broadcast %and3A_77 : i32 to vector<524288xi32>
    %and3A_79 = arith.andi %select_n3A_58, %and3A_78 : vector<524288xi32>
    %add3A_80 = arith.addi %add3A_76, %and3A_79 : vector<524288xi32>
    %gt3A = arith.constant 0.000000e+00 : f32
    %gt3A_81 = vector.broadcast %gt3A : f32 to vector<524288xf32>
    %gt3A_82 = arith.cmpf ogt, %sub3A_18, %gt3A_81 : vector<524288xf32>
    %jit3A_83 = arith.constant 33554432 : i32
    %jit3A_84 = arith.constant 0 : i32
    %broadcast_in_dim3A_85 = vector.broadcast %jit3A_83 : i32 to vector<524288xi32>
    %broadcast_in_dim3A_86 = vector.broadcast %jit3A_84 : i32 to vector<524288xi32>
    %select_n3A_87 = arith.select %gt3A_82, %broadcast_in_dim3A_85, %broadcast_in_dim3A_86 : vector<524288xi1>, vector<524288xi32>
    %or3A = arith.ori %add3A_80, %select_n3A_87 : vector<524288xi32>
    %swap3A = arith.constant 0 : index
    %swap3A_88 = vector.load %arg3[%swap3A] : memref<524288xi32, #tpu.memory_space<vmem>>, vector<524288xi32>
    tpu.vector_store %arg3[%swap3A], %or3A {strides = array<i32>} : memref<524288xi32, #tpu.memory_space<vmem>>, vector<524288xi32>,
    return
  }
  func.func @transform_0(%arg0: i32) -> i32 {
    %c0_i32 = arith.constant 0 : i32
    return %arg0 : i32
  }
  func.func @transform_1(%arg0: i32) -> i32 {
    %c0_i32 = arith.constant 0 : i32
    return %arg0 : i32
  }
  func.func @transform_2(%arg0: i32) -> i32 {
    %c0_i32 = arith.constant 0 : i32
    return %arg0 : i32
  }
}

</mosaic_0001>

<sc_bundles>
// kernel: kernel.4.cloned.1.call-start
scs
__scs_entry_jumppad:
0x0: {  	(pc) =	sbr.rel $0x88, $3  }
0x1: {  	(tag) =	ssettag $0x0;
	lr =	simm.s32 $0x1  }
0x2: {  	[smem:$0x3F9E] =	sst lr;
	_ =	strace $0xD0000000  }
0x3: {  	_ = 	snop  }
0x4: {  	_ = 	snop  }
0x5: {  	_ = 	snop  }
0x6: {  	_ = 	snop  }
0x7: {  	_ = 	snop  }
__scs_overlays_trampoline_lowered:
0x8: {  	[smem:$0x3FAD] =	sst s0  }
0x9: {  	[smem:$0x3FAE] =	sst s1  }
0xa: {  	[smem:$0x3FAF] =	sst s2  }
0xb: {  	[smem:$0x3FB0] =	sst s3  }
0xc: {  	[smem:$0x3FB1] =	sst s4  }
0xd: {  	[smem:$0x3FB2] =	sst s5  }
0xe: {  	[smem:$0x3FB3] =	sst s6  }
0xf: {  	[smem:$0x3FB4] =	sst s7  }
0x10: {  	[smem:$0x3FB5] =	sst s8  }
0x11: {  	[smem:$0x3FB6] =	sst s9;
	s0 =	simm.s32 @!p0 $0x0  }
0x12: {  	s1 =	sld [smem:$0x3F9C];
	s0 =	simm.s32 @p0 $0x1  }
0x13: {  	[smem:$0x3FB7] =	sst s0;
	s0 =	simm.s32 @!p1 $0x0  }
0x14: {  	s2 =	sld [smem:$0x3F9B];
	s0 =	simm.s32 @p1 $0x1  }
0x15: {  	[smem:$0x3FB8] =	sst s0;
	s0 =	simm.s32 @!p2 $0x0  }
0x16: {  	s3 =	sld [smem:$0x3FDB];
	s0 =	simm.s32 @p2 $0x1  }
0x17: {  	s4 =	simm.s32 $0x1BF5;
	[smem:$0x3FBA] =	sst s0  }
0x18: {  	s0 =	sld [smem:$0x3F9D];
	_ =	swait.ge [sflag:s4], $0x0  }
0x19: {  	s7 =	sld [smem:$0x3F9E]  }
0x1a: {  	s8 =	sadd.s32 $0xFFFFE003, lr  }
0x1b: {  	s9 =	sadd.s32 $0xFFFFFEF7, lr;
	s5 =	simm.s32 $0xFFFFFFFF;
	p2 =	slt.u32 s8, $0xFFFFF086  }
0x1c: {  	p1 =	slt.u32 s9, $0xF7A;
	s5 =	simm.s32 @!p2 $0x0  }
0x1d: {  	s5 =	simm.s32 @p1 $0x1;
	p0 =	seq.s32 s7, s2  }
0x1e: {  	s7 =	smul.u32 @!p0 $0xF7A, s2;
	p2 =	seq.s32 @!p0 s5, $0x0  }
0x1f: {  	s9 =	smul.u32 $0xF7A, s1;
	s8 =	simm.s32 @!p0 $0x1BF5;
	p2 =	por !p2, p0  }
0x20: {  	[sflag:s8] =	ssyncset.s32 @!p0 $0xFFFFF086;
	s6 =	sadd.s32 @!p0 s3, s7;
	s7 =	simm.s32 @!p0 $0x108  }
0x21: {  	s3 =	sadd.s32 s3, s9;
	s6 =	sadd.s32 @!p0 $0x88, s6;
	s7 =	simm.s32 @p2 $0x1082  }
0x22: {  	[simem:s7], [sflag:s8] =	dma.local @!p0 [hbm:s6], $0xF7A  }
0x23: {  	s9 =	sor.u32 $0xD0000000, s2;
	s6 =	simm.s32 $0x108;
	_ =	swait.ge @!p0 [sflag:s8], $0x0  }
0x24: {  	s3 =	sadd.s32 $0x88, s3;
	s6 =	simm.s32 @!p1 $0x1082;
	[sflag:s4] =	ssyncset.s32 $0xFFFFF086  }
0x25: {  	[simem:s6], [sflag:s4] =	dma.local [hbm:s3], $0xF7A  }
0x26: {  	[smem:$0x3F9E] =	sst s1;
	(tag) =	ssettag s2;
	_ =	strace s9  }
0x27: {  	s1 =	sld [smem:$0x3FAE]  }
0x28: {  	s2 =	sld [smem:$0x3FAF]  }
0x29: {  	s4 =	sld [smem:$0x3FB1]  }
0x2a: {  	p0 =	seq.s32 s5, $0x0;
	s5 =	sld [smem:$0x3FB2]  }
0x2b: {  	s6 =	sld [smem:$0x3FB3]  }
0x2c: {  	s7 =	sld [smem:$0x3FB4]  }
0x2d: {  	s3 =	simm.s32 $0x108;
	s8 =	sld [smem:$0x3FB5]  }
0x2e: {  	s3 =	simm.s32 @!p0 $0x1082;
	s9 =	sld [smem:$0x3FB6]  }
0x2f: {  	lr =	sadd.s32 s0, s3;
	s0 =	sld [smem:$0x3FAD]  }
0x30: {  	s3 =	sld [smem:$0x3FB0]  }
0x31: {  	[smem:$0x3FB9] =	sst s10  }
0x32: {  	s10 =	sld [smem:$0x3FB7];
	_ =	sdelay $0x3  }
0x33: {  	p0 =	seq.s32 s10, $0x1;
	s10 =	sld [smem:$0x3FB9];
	_ =	sdelay $0x3  }
0x34: {  	[smem:$0x3FB9] =	sst s10  }
0x35: {  	s10 =	sld [smem:$0x3FB8];
	_ =	sdelay $0x3  }
0x36: {  	p1 =	seq.s32 s10, $0x1;
	s10 =	sld [smem:$0x3FB9];
	_ =	sdelay $0x3  }
0x37: {  	[smem:$0x3FB9] =	sst s10  }
0x38: {  	s10 =	sld [smem:$0x3FBA]  }
0x39: {  	_ = 	snop;
	(pc) =	sbr.ind lr, $3  }
0x3a: {  	_ = 	snop  }
0x3b: {  	_ = 	snop  }
0x3c: {  	p2 =	seq.s32 s10, $0x1;
	s10 =	sld [smem:$0x3FB9]  }
0x3d: {  	_ =	shalt  }
0x3e: {  	_ =	shalt  }
0x3f: {  	_ =	shalt  }
0x40: {  	_ =	shalt  }
0x41: {  	_ =	shalt  }
0x42: {  	_ =	shalt  }
0x43: {  	_ =	shalt  }
0x44: {  	_ =	shalt  }
0x45: {  	_ =	shalt  }
0x46: {  	_ =	shalt  }
0x47: {  	_ =	shalt  }
0x48: {  	_ =	shalt  }
0x49: {  	_ =	shalt  }
0x4a: {  	_ =	shalt  }
0x4b: {  	_ =	shalt  }
0x4c: {  	_ =	shalt  }
0x4d: {  	_ =	shalt  }
0x4e: {  	_ =	shalt  }
0x4f: {  	_ =	shalt  }
0x50: {  	_ =	shalt  }
0x51: {  	_ =	shalt  }
0x52: {  	_ =	shalt  }
0x53: {  	_ =	shalt  }
0x54: {  	_ =	shalt  }
0x55: {  	_ =	shalt  }
0x56: {  	_ =	shalt  }
0x57: {  	_ =	shalt  }
0x58: {  	_ =	shalt  }
0x59: {  	_ =	shalt  }
0x5a: {  	_ =	shalt  }
0x5b: {  	_ =	shalt  }
0x5c: {  	_ =	shalt  }
0x5d: {  	_ =	shalt  }
0x5e: {  	_ =	shalt  }
0x5f: {  	_ =	shalt  }
0x60: {  	_ =	shalt  }
0x61: {  	_ =	shalt  }
0x62: {  	_ =	shalt  }
0x63: {  	_ =	shalt  }
0x64: {  	_ =	shalt  }
0x65: {  	_ =	shalt  }
0x66: {  	_ =	shalt  }
0x67: {  	_ =	shalt  }
0x68: {  	_ =	shalt  }
0x69: {  	_ =	shalt  }
0x6a: {  	_ =	shalt  }
0x6b: {  	_ =	shalt  }
0x6c: {  	_ =	shalt  }
0x6d: {  	_ =	shalt  }
0x6e: {  	_ =	shalt  }
0x6f: {  	_ =	shalt  }
0x70: {  	_ =	shalt  }
0x71: {  	_ =	shalt  }
0x72: {  	_ =	shalt  }
0x73: {  	_ =	shalt  }
0x74: {  	_ =	shalt  }
0x75: {  	_ =	shalt  }
0x76: {  	_ =	shalt  }
0x77: {  	_ =	shalt  }
0x78: {  	_ =	shalt  }
0x79: {  	_ =	shalt  }
0x7a: {  	_ =	shalt  }
0x7b: {  	_ =	shalt  }
0x7c: {  	_ =	shalt  }
0x7d: {  	_ =	shalt  }
0x7e: {  	_ =	shalt  }
0x7f: {  	_ =	shalt  }
0x80: {  	_ =	shalt  }
0x81: {  	_ =	shalt  }
0x82: {  	_ =	shalt  }
0x83: {  	_ =	shalt  }
0x84: {  	_ =	shalt  }
0x85: {  	_ =	shalt  }
0x86: {  	_ =	shalt  }
0x87: {  	_ =	shalt  }
.Lfunc_end0:
.L_simem_size_0:
called_computation_lowered:
.L_overlay_start_0:
0x88: {  	s2 =	sld [smem:$0x3FD9]  }
0x89: {  	s3 =	sld [smem:$0x3FFE];
	_ =	sdelay $0x1  }
0x8a: {  	s1 =	srdreg.scid  }
0x8b: {  	s0 =	sand.u32 $0x1, s1  }
0x8c: {  	s17 =	sshll.u32 s0, $0xA;
	s2 =	sadd.s32 s3, s2  }
0x8d: {  	s2 =	sadd.s32 s2, s17  }
0x8e: {  	[smem:$0x3FC5] =	sst s2  }
0x8f: {  	_ = 	snop  }
0x90: {  	s2 =	sld [smem:$0x3FD0];
	(tm) =	ssettm $0x1  }
0x91: {  	s18 =	sld [smem:$0x3FFB];
	_ =	sdelay $0x3  }
0x92: {  	_ =	strace s18  }
0x93: {  	s3 =	sld [smem:$0x3FFC];
	_ =	sdelay $0x3  }
0x94: {  	_ =	strace s3  }
0x95: {  	s3 =	sld [smem:$0x3FFD];
	_ =	sdelay $0x3  }
0x96: {  	_ =	strace s3  }
0x97: {  	_ =	strace $0x8FFFFFFF  }
0x98: {  	s19 =	sld [smem:$0x3FDB];
	_ =	sdelay $0x1  }
0x99: {  	s4 =	simm.s32 $_scs_section_size  }
0x9a: {  	s5 =	simm.s32 $_size__tile_overlayer_lowered;
	s6 =	simm.s32 $_tile_overlayer_lowered  }
0x9b: {  	s22 =	simm.s32 $0x1BFF;
	s21 =	sshll.u32 s6, $0x1;
	s3 =	sadd.s32 s4, s19  }
0x9c: {  	s7 =	simm.s32 $0x0;
	s20 =	sshll.u32 s5, $0x1;
	s5 =	sadd.s32 s21, s3  }
0x9d: {  	[timem:s7], [sflag:s22] =	dma.local [hbm:s5], s20  }
0x9e: {  	_ =	swait.ge [sflag:s22], s20  }
0x9f: {  	s4 =	ssub.s32 $0x0, s20;
	[sflag:s22] =	ssyncset.done $0x0  }
0xa0: {  	[sflag:s22] =	ssyncadd.s32 s4;
	_ =	sdelay $0x1  }
0xa1: {  	s23 =	simm.s32 $0x1B8B  }
0xa2: {  	_ =	swait.ge [sflag:s23], $0x1  }
0xa3: {  	[sflag:s23] =	ssyncset.done $0x0  }
0xa4: {  	s25 =	simm.s32 $0x1B8E;
	s24 =	sld [smem:$0x3FFE];
	[sflag:s23] =	ssyncadd.s32 $0xFFFFFFFF  }
0xa5: {  	s26 =	simm.s32 $execute0_lowered;
	[smem:$0x3FD2] =	sst s25  }
0xa6: {  	s5 =	sshll.u32 s26, $0x1;
	_ =	strace $0x80000046;
	[dreg:$0x1] =	wrdreg $0xFFFFFFFF  }
0xa7: {  	s28 =	simm.s32 $_size_execute0_lowered;
	s3 =	sadd.s32 s3, s5;
	[dreg:$0x0] =	wrdreg $0x0  }
0xa8: {  	s5 =	sshll.u32 s28, $0x1;
	[dreg:$0x2] =	wrdreg s3  }
0xa9: {  	[dreg:$0x3] =	wrdreg s5  }
0xaa: {  	[dreg:$0x4] =	wrdreg $0xC0  }
0xab: {  	_ =	task [dreg:s7], $0x5FFFF  }
0xac: {  	[dreg:$0x1] =	wrdreg $0xFFFFFFFF  }
0xad: {  	[dreg:$0x0] =	wrdreg $0x60  }
0xae: {  	[dreg:$0x2] =	wrdreg s24  }
0xaf: {  	[dreg:$0x3] =	wrdreg s2  }
0xb0: {  	[dreg:$0x4] =	wrdreg $0x9  }
0xb1: {  	_ =	task.clear_ibuf [dreg:s7], $0x5FFFF;
	_ =	strace $0x90000046  }
0xb2: {  	s29 =	simm.s32 $0x9;
	_ =	strace $0x80000048  }
0xb3: {  	_ =	swait.ge [sflag:s29], $0x1  }
0xb4: {  	[sflag:s29] =	ssyncadd.s32 $0xFFFFFFFF  }
0xb5: {  	_ =	strace $0x90000048  }
0xb6: {  	_ =	sfence  }
0xb7: {  	s30 =	sld [smem:$0x0];
	_ =	sdelay $0x2  }
0xb8: {  	s31 =	sshll.u32 s1, $0xD;
	s1 =	sshrl.u32 s1, $0x2  }
0xb9: {  	s3 =	sand.u32 $0x4000, s31;
	s1 =	sadd.s32 s1, s30  }
0xba: {  	s0 =	sor.u32 s3, s0;
	s1 =	sshll.u32 s1, $0x11  }
0xbb: {  	s0 =	sor.u32 s1, s0  }
0xbc: {  	s0 =	sadd.s32 $0x8F2B, s0  }
0xbd: {  	[sflag:s0] =	ssyncadd.remote.s32 $0x1  }
0xbe: {  	_ =	sfence.sel $0xFFFF  }
0xbf: {  	[dreg:$0x0] =	wrdreg $0xFFFFFFFF;
	(pc) =	sbr.abs _section_cstart, $3  }
0xc0: {  	[dreg:$0x1] =	wrdreg $0xFFFFFFFF  }
0xc1: {  	_ =	task.clear_ibuf [dreg:s7], $0x2FFFF;
	_ =	strace $0x9FFFFFFF  }
0xc2: {  	(tm) =	ssettm $0x7FFFFFFF  }
0xc3: {  	_ =	shalt  }
tec
execute0_lowered:
.L_overlay_start_1:
0x0: {  	(tag) =	ssettag $0x1  }
0x1: {  	s0 =	rddreg [dreg:$0x0]  }
0x2: {  	s2 =	rddreg [dreg:$0x1];
	s1 =	srdreg.scid  }
0x3: {  	s3 =	simm.s32 $0x0;
	s4 =	stileid.u32;
	s12 =	simm.s32 $0x1  }
0x4: {  	s13 =	simm.s32 $0x2000;
	s14 =	simm.s32 $0x8000;
	s15 =	simm.s32 $0x10000  }
0x5: {  	s16 =	simm.s32 $0xA000;
	s17 =	simm.s32 $0x12000;
	s18 =	simm.s32 $0x4000  }
0x6: {  	s19 =	simm.s32 $0x2;
	s20 =	simm.s32 $0xC000;
	s21 =	simm.s32 $0x14000  }
0x7: {  	s22 =	simm.s32 $0xE000;
	s23 =	simm.s32 $0x16000;
	s24 =	simm.s32 $0x3  }
0x8: {  	s25 =	simm.s32 $0x4;
	s26 =	simm.s32 $0x5;
	s28 =	simm.s32 $0x6  }
0x9: {  	s29 =	simm.s32 $0x0;
	s1 =	sand.u32 $0x1, s1;
	[smem:$0x7FF] =	sst s3  }
0xa: {  	s4 =	sshll.u32 s4, $0x14;
	s5 =	sshll.u32 s1, $0x13;
	s1 =	ssub.s32 $0x2, s1  }
.Ltmp0:
0xb: {  	s4 =	sor.u32 s5, s4;
	s7 =	sshrl.u32 s1, $0x1;
	(pc) =	sbr.rel .LBB2_1-.Ltmp0, $4  }
0xc: {  	s5 =	sadd.s32 $0x400, s0;
	s8 =	sshrl.u32 s4, $0x3;
	s30 =	ssub.s32 s1, s7  }
0xd: {  	s6 =	sadd.s32 $0x200400, s0;
	s7 =	sadd.s32 s5, s8;
	s0 =	smax.u32 s30, $0x1  }
0xe: {  	_ =	strace $0x80000047;
	s31 =	sadd.s32 $0x800, s7;
	[dreg:$0x4] =	wrdreg s0  }
0xf: {  	s9 =	sor.u32 $0x8000, s4;
	s10 =	sor.u32 $0xC000, s4;
	[dreg:$0x3] =	wrdreg s31  }
.LBB2_16:
0x10: {  	_ =	swait.ge [sflag:s26], $0x4000  }
0x11: {  	[sflag:s26] =	ssyncset.done $0x0  }
0x12: {  	[sflag:s26] =	ssyncadd.s32 $0xFFFFC000  }
0x13: {  	_ =	swait.ge [sflag:s28], $0x4000  }
0x14: {  	s29 =	sadd.s32 $0x1, s29;
	s0 =	rddreg [dreg:$0x4]  }
0x15: {  	p0 =	sne.s32 s29, s0  }
.Ltmp1:
0x16: {  	_ = 	snop;
	(pc) =	sbr.rel @!p0 .LBB2_17-.Ltmp1, $3  }
0x17: {  	_ =	sdelay $0x1  }
0x18: {  	[sflag:s28] =	ssyncset.done $0x0  }
0x19: {  	[sflag:s28] =	ssyncadd.s32 $0xFFFFC000  }
.LBB2_1:
0x1a: {  	[tilespmem:s3], [sflag:$0x1] =	stream.linear.gather [hbm4b:s7+s3], $0x4000, $0x38;
	[tilespmem:$0x18000] =	vst v63  }
0x1b: {  	_ =	swait.ge [sflag:s12], $0x4000  }
0x1c: {  	[sflag:s12] =	ssyncset.done $0x0  }
0x1d: {  	s1 =	simm.s32 $0x0;
	[sflag:s12] =	ssyncadd.s32 $0xFFFFC000  }
0x1e: {  	v1 =	vld [tilespmem:s1+$0x70]  }
0x1f: {  	v4 =	vld [tilespmem:s1+$0x0]  }
0x20: {  	v5 =	vld [tilespmem:s1+$0x10]  }
0x21: {  	v3 =	vld [tilespmem:s1+$0x20]  }
0x22: {  	v2 =	vld [tilespmem:s1+$0x30]  }
0x23: {  	v0 =	vld [tilespmem:s1+$0x40];
	v6 =	vand.u32 $0x1FFFFFF, v1  }
0x24: {  	v1 =	vld [tilespmem:s1+$0x50];
	v4 =	vand.u32 $0x1FFFFFF, v4;
	[tilespmem:s1+$0x8070] =	vst v6  }
0x25: {  	s0 =	simm.s32 $0x80;
	s8 =	simm.s32 $0x400;
	v5 =	vand.u32 $0x1FFFFFF, v5;
	[tilespmem:s1+$0x8000] =	vst v4;
	v4 =	vld [tilespmem:s1+$0x60]  }
.LBB2_2:
0x26: {  	p0 =	sne.s32 s8, $0xFE00;
	v6 =	vld [tilespmem:s0+$0x70];
	[tilespmem:s1+$0x8010] =	vst v5;
	v3 =	vand.u32 $0x1FFFFFF, v3  }
0x27: {  	v5 =	vld [tilespmem:s0+$0x0];
	[tilespmem:s1+$0x8020] =	vst v3;
	v2 =	vand.u32 $0x1FFFFFF, v2  }
0x28: {  	v7 =	vld [tilespmem:s0+$0x10];
	[tilespmem:s1+$0x8030] =	vst v2;
	v0 =	vand.u32 $0x1FFFFFF, v0  }
.Ltmp2:
0x29: {  	v3 =	vld [tilespmem:s0+$0x20];
	[tilespmem:s1+$0x8040] =	vst v0;
	v0 =	vand.u32 $0x1FFFFFF, v1;
	(pc) =	sbr.rel @p0 .LBB2_2-.Ltmp2, $4  }
0x2a: {  	v2 =	vld [tilespmem:s0+$0x30];
	[tilespmem:s1+$0x8050] =	vst v0;
	v1 =	vand.u32 $0x1FFFFFF, v4  }
0x2b: {  	v0 =	vld [tilespmem:s0+$0x40];
	v4 =	vand.u32 $0x1FFFFFF, v6;
	[tilespmem:s1+$0x8060] =	vst v1;
	s1 =	smov.u32 s0  }
0x2c: {  	v5 =	vand.u32 $0x1FFFFFF, v5;
	v1 =	vld [tilespmem:s1+$0x50];
	[tilespmem:s1+$0x8070] =	vst v4  }
0x2d: {  	s0 =	sshra.s32 s8, $0x2;
	s8 =	sadd.s32 $0x200, s8;
	[tilespmem:s1+$0x8000] =	vst v5;
	v5 =	vand.u32 $0x1FFFFFF, v7;
	v4 =	vld [tilespmem:s1+$0x60]  }
0x2e: {  	v6 =	vld [tilespmem:s0+$0x70];
	[tilespmem:s1+$0x8010] =	vst v5;
	v3 =	vand.u32 $0x1FFFFFF, v3  }
0x2f: {  	v5 =	vld [tilespmem:s0+$0x0];
	[tilespmem:s1+$0x8020] =	vst v3;
	v2 =	vand.u32 $0x1FFFFFF, v2  }
0x30: {  	v3 =	vld [tilespmem:s0+$0x10];
	[tilespmem:s1+$0x8030] =	vst v2;
	v0 =	vand.u32 $0x1FFFFFF, v0  }
0x31: {  	v2 =	vld [tilespmem:s0+$0x20];
	[tilespmem:s1+$0x8040] =	vst v0;
	v51 =	vand.u32 $0x1FFFFFF, v1  }
0x32: {  	v52 =	vld [tilespmem:s0+$0x30];
	[tilespmem:s1+$0x8050] =	vst v51;
	v53 =	vand.u32 $0x1FFFFFF, v4  }
0x33: {  	v54 =	vld [tilespmem:s0+$0x40];
	[tilespmem:s1+$0x8060] =	vst v53;
	v55 =	vand.u32 $0x1FFFFFF, v6  }
0x34: {  	v56 =	vld [tilespmem:s0+$0x50];
	v5 =	vand.u32 $0x1FFFFFF, v5;
	[tilespmem:s0+$0x8070] =	vst v55  }
0x35: {  	v58 =	vld [tilespmem:s0+$0x60];
	[tilespmem:s0+$0x8000] =	vst v5;
	v57 =	vand.u32 $0x1FFFFFF, v3  }
0x36: {  	[tilespmem:s0+$0x8010] =	vst v57;
	v59 =	vand.u32 $0x1FFFFFF, v2  }
0x37: {  	[tilespmem:s0+$0x8020] =	vst v59;
	v60 =	vand.u32 $0x1FFFFFF, v52  }
0x38: {  	[tilespmem:s0+$0x8030] =	vst v60;
	v61 =	vand.u32 $0x1FFFFFF, v54  }
0x39: {  	[tilespmem:s0+$0x8040] =	vst v61;
	v62 =	vand.u32 $0x1FFFFFF, v56  }
0x3a: {  	v63 =	vand.u32 $0x1FFFFFF, v58;
	[tilespmem:s0+$0x8050] =	vst v62  }
0x3b: {  	[tilespmem:s0+$0x8060] =	vst v63  }
0x3c: {  	[tilespmem:s15], [sflag:$0x3] =	stream.indirect.gather [hbm4b:s6+s13], $0x1, s14, s13, $0xb8;
	[tilespmem:$0x18000] =	vst v63  }
0x3d: {  	_ = 	snop  }
0x3e: {  	[tilespmem:s17], [sflag:$0x3] =	stream.indirect.gather [hbm4b:s6+s13], $0x1, s16, s13, $0xb8;
	[tilespmem:$0x18000] =	vst v63  }
0x3f: {  	s30 =	simm.s32 $0x0;
	s31 =	rddreg [dreg:$0x3]  }
0x40: {  	[tilespmem:s18], [sflag:$0x2] =	stream.linear.gather [hbm4b:s31+s30], $0x4000, $0x38;
	[tilespmem:$0x18000] =	vst v63  }
.LBB2_4:
0x41: {  	p0 =	seq.s32 s30, $0x0  }
0x42: {  	s0 =	simm.s32 @!p0 $0x6  }
0x43: {  	_ =	swait.ge @!p0 [sflag:s0], $0x4000  }
0x44: {  	[sflag:s0] =	ssyncset.done @!p0 $0x0  }
0x45: {  	[sflag:s0] =	ssyncadd.s32 @!p0 $0xFFFFC000  }
0x46: {  	_ =	swait.ge [sflag:s19], $0x4000  }
0x47: {  	[sflag:s19] =	ssyncset.done $0x0  }
0x48: {  	s0 =	simm.s32 $0x0;
	[sflag:s19] =	ssyncadd.s32 $0xFFFFC000  }
0x49: {  	v1 =	vld [tilespmem:s0+$0x4070]  }
0x4a: {  	v4 =	vld [tilespmem:s0+$0x4000]  }
0x4b: {  	v5 =	vld [tilespmem:s0+$0x4010]  }
0x4c: {  	v3 =	vld [tilespmem:s0+$0x4020]  }
0x4d: {  	v2 =	vld [tilespmem:s0+$0x4030]  }
0x4e: {  	v0 =	vld [tilespmem:s0+$0x4040];
	v6 =	vand.u32 $0x1FFFFFF, v1  }
0x4f: {  	v1 =	vld [tilespmem:s0+$0x4050];
	v4 =	vand.u32 $0x1FFFFFF, v4;
	[tilespmem:s0+$0xC070] =	vst v6  }
0x50: {  	s31 =	sshll.u32 s30, $0xF;
	s1 =	simm.s32 $0x80;
	s8 =	simm.s32 $0x400;
	v5 =	vand.u32 $0x1FFFFFF, v5;
	[tilespmem:s0+$0xC000] =	vst v4;
	v4 =	vld [tilespmem:s0+$0x4060]  }
.LBB2_5:
0x51: {  	p0 =	sne.s32 s8, $0xFE00;
	v6 =	vld [tilespmem:s1+$0x4070];
	[tilespmem:s0+$0xC010] =	vst v5;
	v3 =	vand.u32 $0x1FFFFFF, v3  }
0x52: {  	v5 =	vld [tilespmem:s1+$0x4000];
	[tilespmem:s0+$0xC020] =	vst v3;
	v2 =	vand.u32 $0x1FFFFFF, v2  }
0x53: {  	v7 =	vld [tilespmem:s1+$0x4010];
	[tilespmem:s0+$0xC030] =	vst v2;
	v0 =	vand.u32 $0x1FFFFFF, v0  }
.Ltmp3:
0x54: {  	v3 =	vld [tilespmem:s1+$0x4020];
	[tilespmem:s0+$0xC040] =	vst v0;
	v0 =	vand.u32 $0x1FFFFFF, v1;
	(pc) =	sbr.rel @p0 .LBB2_5-.Ltmp3, $4  }
0x55: {  	v2 =	vld [tilespmem:s1+$0x4030];
	[tilespmem:s0+$0xC050] =	vst v0;
	v1 =	vand.u32 $0x1FFFFFF, v4  }
0x56: {  	v0 =	vld [tilespmem:s1+$0x4040];
	v4 =	vand.u32 $0x1FFFFFF, v6;
	[tilespmem:s0+$0xC060] =	vst v1;
	s0 =	smov.u32 s1  }
0x57: {  	v5 =	vand.u32 $0x1FFFFFF, v5;
	v1 =	vld [tilespmem:s0+$0x4050];
	[tilespmem:s0+$0xC070] =	vst v4  }
0x58: {  	s1 =	sshra.s32 s8, $0x2;
	s8 =	sadd.s32 $0x200, s8;
	[tilespmem:s0+$0xC000] =	vst v5;
	v5 =	vand.u32 $0x1FFFFFF, v7;
	v4 =	vld [tilespmem:s0+$0x4060]  }
0x59: {  	v6 =	vld [tilespmem:s1+$0x4070];
	[tilespmem:s0+$0xC010] =	vst v5;
	v3 =	vand.u32 $0x1FFFFFF, v3  }
0x5a: {  	v5 =	vld [tilespmem:s1+$0x4000];
	[tilespmem:s0+$0xC020] =	vst v3;
	v2 =	vand.u32 $0x1FFFFFF, v2  }
0x5b: {  	v3 =	vld [tilespmem:s1+$0x4010];
	[tilespmem:s0+$0xC030] =	vst v2;
	v0 =	vand.u32 $0x1FFFFFF, v0  }
0x5c: {  	v2 =	vld [tilespmem:s1+$0x4020];
	[tilespmem:s0+$0xC040] =	vst v0;
	v0 =	vand.u32 $0x1FFFFFF, v1  }
0x5d: {  	v1 =	vld [tilespmem:s1+$0x4030];
	[tilespmem:s0+$0xC050] =	vst v0;
	v0 =	vand.u32 $0x1FFFFFF, v4  }
0x5e: {  	v4 =	vld [tilespmem:s1+$0x4040];
	[tilespmem:s0+$0xC060] =	vst v0;
	v0 =	vand.u32 $0x1FFFFFF, v6  }
0x5f: {  	v6 =	vld [tilespmem:s1+$0x4050];
	v5 =	vand.u32 $0x1FFFFFF, v5;
	[tilespmem:s1+$0xC070] =	vst v0  }
0x60: {  	[tilespmem:s1+$0xC000] =	vst v5;
	v0 =	vand.u32 $0x1FFFFFF, v3;
	v3 =	vld [tilespmem:s1+$0x4060]  }
0x61: {  	[tilespmem:s1+$0xC010] =	vst v0;
	v0 =	vand.u32 $0x1FFFFFF, v2  }
0x62: {  	[tilespmem:s1+$0xC020] =	vst v0;
	v0 =	vand.u32 $0x1FFFFFF, v1  }
0x63: {  	[tilespmem:s1+$0xC030] =	vst v0;
	v0 =	vand.u32 $0x1FFFFFF, v4  }
0x64: {  	[tilespmem:s1+$0xC040] =	vst v0;
	v0 =	vand.u32 $0x1FFFFFF, v6  }
0x65: {  	[tilespmem:s1+$0xC050] =	vst v0;
	v0 =	vand.u32 $0x1FFFFFF, v3  }
0x66: {  	[tilespmem:s1+$0xC060] =	vst v0  }
0x67: {  	[tilespmem:s21], [sflag:$0x4] =	stream.indirect.gather [hbm4b:s6+s13], $0x1, s20, s13, $0xb8;
	[tilespmem:$0x18000] =	vst v63  }
0x68: {  	_ = 	snop  }
0x69: {  	[tilespmem:s23], [sflag:$0x4] =	stream.indirect.gather [hbm4b:s6+s13], $0x1, s22, s13, $0xb8;
	[tilespmem:$0x18000] =	vst v63  }
0x6a: {  	_ =	swait.ge [sflag:s24], $0x2000  }
0x6b: {  	[sflag:s24] =	ssyncset.done $0x0  }
0x6c: {  	[sflag:s24] =	ssyncadd.s32 $0xFFFFE000  }
0x6d: {  	_ =	swait.ge [sflag:s24], $0x2000  }
0x6e: {  	[sflag:s24] =	ssyncset.done $0x0  }
0x6f: {  	s1 =	simm.s32 $0x0;
	[sflag:s24] =	ssyncadd.s32 $0xFFFFE000  }
0x70: {  	v6 =	vld [tilespmem:s1+$0x0]  }
0x71: {  	v11 =	vld [tilespmem:s1+$0x10]  }
0x72: {  	v5 =	vld [tilespmem:s1+$0x20]  }
0x73: {  	v4 =	vld [tilespmem:s1+$0x30]  }
0x74: {  	v3 =	vld [tilespmem:s1+$0x40]  }
0x75: {  	v2 =	vld [tilespmem:s1+$0x50]  }
0x76: {  	v1 =	vld [tilespmem:s1+$0x60]  }
0x77: {  	v0 =	vld [tilespmem:s1+$0x70]  }
0x78: {  	v10 =	vld [tilespmem:s1+$0x10000]  }
0x79: {  	v9 =	vld [tilespmem:s1+$0x10010]  }
0x7a: {  	v8 =	vld [tilespmem:s1+$0x10020]  }
0x7b: {  	v7 =	vld [tilespmem:s1+$0x10030];
	v6 =	vshll.u32 v6, $0x6  }
0x7c: {  	s0 =	simm.s32 $0x200;
	v11 =	vshll.u32 v11, $0x6;
	v12 =	vand.u32 $0x80000000, v6;
	v6 =	vld [tilespmem:s1+$0x10040]  }
.LBB2_7:
0x7d: {  	p0 =	sne.s32 s0, $0xFE00;
	v10 =	vxor.u32 v10, v12;
	v11 =	vand.u32 $0x80000000, v11;
	v5 =	vshll.u32 v5, $0x6;
	v12 =	vld [tilespmem:s1+$0x10050]  }
0x7e: {  	v4 =	vshll.u32 v4, $0x6;
	[tilespmem:s1+$0x10000] =	vst v10;
	v9 =	vxor.u32 v9, v11;
	v5 =	vand.u32 $0x80000000, v5;
	v10 =	vld [tilespmem:s1+$0x10060]  }
0x7f: {  	s8 =	sshra.s32 s0, $0x2;
	v3 =	vshll.u32 v3, $0x6;
	v4 =	vand.u32 $0x80000000, v4;
	[tilespmem:s1+$0x10010] =	vst v9;
	v5 =	vxor.u32 v8, v5;
	v8 =	vld [tilespmem:s1+$0x10070]  }
0x80: {  	v2 =	vshll.u32 v2, $0x6;
	v3 =	vand.u32 $0x80000000, v3;
	v11 =	vld [tilespmem:s8+$0x0];
	[tilespmem:s1+$0x10020] =	vst v5;
	v4 =	vxor.u32 v7, v4  }
0x81: {  	v1 =	vshll.u32 v1, $0x6;
	v2 =	vand.u32 $0x80000000, v2;
	v13 =	vld [tilespmem:s8+$0x10];
	[tilespmem:s1+$0x10030] =	vst v4;
	v3 =	vxor.u32 v6, v3  }
0x82: {  	v0 =	vshll.u32 v0, $0x6;
	v1 =	vand.u32 $0x80000000, v1;
	v5 =	vld [tilespmem:s8+$0x20];
	[tilespmem:s1+$0x10040] =	vst v3;
	v2 =	vxor.u32 v12, v2  }
0x83: {  	v0 =	vand.u32 $0x80000000, v0;
	v4 =	vld [tilespmem:s8+$0x30];
	[tilespmem:s1+$0x10050] =	vst v2;
	v1 =	vxor.u32 v10, v1  }
0x84: {  	v3 =	vld [tilespmem:s8+$0x40];
	[tilespmem:s1+$0x10060] =	vst v1;
	v0 =	vxor.u32 v8, v0  }
0x85: {  	v2 =	vld [tilespmem:s8+$0x50];
	[tilespmem:s1+$0x10070] =	vst v0;
	s1 =	smov.u32 s8  }
0x86: {  	v1 =	vld [tilespmem:s1+$0x60]  }
0x87: {  	v0 =	vld [tilespmem:s1+$0x70]  }
.Ltmp4:
0x88: {  	v10 =	vld [tilespmem:s1+$0x10000];
	(pc) =	sbr.rel @p0 .LBB2_7-.Ltmp4, $4  }
0x89: {  	v9 =	vld [tilespmem:s1+$0x10010]  }
0x8a: {  	v8 =	vld [tilespmem:s1+$0x10020]  }
0x8b: {  	v6 =	vshll.u32 v11, $0x6;
	v7 =	vld [tilespmem:s1+$0x10030]  }
0x8c: {  	s0 =	sadd.s32 $0x200, s0;
	v12 =	vand.u32 $0x80000000, v6;
	v11 =	vshll.u32 v13, $0x6;
	v6 =	vld [tilespmem:s1+$0x10040]  }
0x8d: {  	v10 =	vxor.u32 v10, v12;
	v61 =	vld [tilespmem:s1+$0x10050];
	v11 =	vand.u32 $0x80000000, v11;
	v5 =	vshll.u32 v5, $0x6  }
0x8e: {  	v62 =	vld [tilespmem:s1+$0x10060];
	v4 =	vshll.u32 v4, $0x6;
	[tilespmem:s1+$0x10000] =	vst v10;
	v9 =	vxor.u32 v9, v11;
	v5 =	vand.u32 $0x80000000, v5  }
0x8f: {  	v3 =	vshll.u32 v3, $0x6;
	v63 =	vld [tilespmem:s1+$0x10070];
	v4 =	vand.u32 $0x80000000, v4;
	[tilespmem:s1+$0x10010] =	vst v9;
	v5 =	vxor.u32 v8, v5  }
0x90: {  	v2 =	vshll.u32 v2, $0x6;
	v3 =	vand.u32 $0x80000000, v3;
	[tilespmem:s1+$0x10020] =	vst v5;
	v4 =	vxor.u32 v7, v4  }
0x91: {  	v1 =	vshll.u32 v1, $0x6;
	p0 =	seq.s32 s30, $0xF;
	v2 =	vand.u32 $0x80000000, v2;
	[tilespmem:s1+$0x10030] =	vst v4;
	v3 =	vxor.u32 v6, v3  }
.Ltmp5:
0x92: {  	v0 =	vshll.u32 v0, $0x6;
	v1 =	vand.u32 $0x80000000, v1;
	[tilespmem:s1+$0x10040] =	vst v3;
	v2 =	vxor.u32 v61, v2;
	(pc) =	sbr.rel @p0 .LBB2_12-.Ltmp5, $4  }
0x93: {  	s0 =	sor.u32 s4, s31;
	v0 =	vand.u32 $0x80000000, v0;
	v1 =	vxor.u32 v62, v1;
	[tilespmem:s1+$0x10050] =	vst v2  }
0x94: {  	s0 =	sshrl.u32 s0, $0x3;
	v0 =	vxor.u32 v63, v0;
	[tilespmem:s1+$0x10060] =	vst v1  }
0x95: {  	s11 =	sadd.s32 s2, s0;
	[tilespmem:s1+$0x10070] =	vst v0  }
0x96: {  	[hbm4b:s11+s3] =	stream.linear.scatter [tilespmem:s15], [sflag:$0x5], $0x4000, $0x38;
	[tilespmem:$0x18000] =	vst v63  }
0x97: {  	s1 =	sadd.s32 s31, s9  }
0x98: {  	s1 =	sshrl.u32 s1, $0x3  }
0x99: {  	s8 =	simm.s32 $0x0;
	s1 =	sadd.s32 s5, s1  }
0x9a: {  	[tilespmem:s8], [sflag:$0x1] =	stream.linear.gather [hbm4b:s1+s8], $0x4000, $0x38;
	[tilespmem:$0x18000] =	vst v63  }
0x9b: {  	_ =	swait.ge [sflag:s26], $0x4000  }
0x9c: {  	[sflag:s26] =	ssyncset.done $0x0  }
0x9d: {  	[sflag:s26] =	ssyncadd.s32 $0xFFFFC000  }
0x9e: {  	_ =	swait.ge [sflag:s12], $0x4000  }
0x9f: {  	[sflag:s12] =	ssyncset.done $0x0  }
0xa0: {  	s8 =	simm.s32 $0x0;
	[sflag:s12] =	ssyncadd.s32 $0xFFFFC000  }
0xa1: {  	v1 =	vld [tilespmem:s8+$0x70]  }
0xa2: {  	v4 =	vld [tilespmem:s8+$0x0]  }
0xa3: {  	v5 =	vld [tilespmem:s8+$0x10]  }
0xa4: {  	v3 =	vld [tilespmem:s8+$0x20]  }
0xa5: {  	v2 =	vld [tilespmem:s8+$0x30]  }
0xa6: {  	v0 =	vld [tilespmem:s8+$0x40];
	v6 =	vand.u32 $0x1FFFFFF, v1  }
0xa7: {  	v1 =	vld [tilespmem:s8+$0x50];
	v4 =	vand.u32 $0x1FFFFFF, v4;
	[tilespmem:s8+$0x8070] =	vst v6  }
0xa8: {  	s11 =	simm.s32 $0x400;
	s1 =	simm.s32 $0x80;
	v5 =	vand.u32 $0x1FFFFFF, v5;
	[tilespmem:s8+$0x8000] =	vst v4;
	v4 =	vld [tilespmem:s8+$0x60]  }
.LBB2_10:
0xa9: {  	p1 =	sne.s32 s11, $0xFE00;
	v6 =	vld [tilespmem:s1+$0x70];
	[tilespmem:s8+$0x8010] =	vst v5;
	v3 =	vand.u32 $0x1FFFFFF, v3  }
0xaa: {  	v5 =	vld [tilespmem:s1+$0x0];
	[tilespmem:s8+$0x8020] =	vst v3;
	v2 =	vand.u32 $0x1FFFFFF, v2  }
0xab: {  	v7 =	vld [tilespmem:s1+$0x10];
	[tilespmem:s8+$0x8030] =	vst v2;
	v0 =	vand.u32 $0x1FFFFFF, v0  }
.Ltmp6:
0xac: {  	v3 =	vld [tilespmem:s1+$0x20];
	[tilespmem:s8+$0x8040] =	vst v0;
	v0 =	vand.u32 $0x1FFFFFF, v1;
	(pc) =	sbr.rel @p1 .LBB2_10-.Ltmp6, $4  }
0xad: {  	v2 =	vld [tilespmem:s1+$0x30];
	[tilespmem:s8+$0x8050] =	vst v0;
	v1 =	vand.u32 $0x1FFFFFF, v4  }
0xae: {  	v0 =	vld [tilespmem:s1+$0x40];
	v4 =	vand.u32 $0x1FFFFFF, v6;
	[tilespmem:s8+$0x8060] =	vst v1;
	s8 =	smov.u32 s1  }
0xaf: {  	v5 =	vand.u32 $0x1FFFFFF, v5;
	v1 =	vld [tilespmem:s8+$0x50];
	[tilespmem:s8+$0x8070] =	vst v4  }
0xb0: {  	s1 =	sshra.s32 s11, $0x2;
	s11 =	sadd.s32 $0x200, s11;
	[tilespmem:s8+$0x8000] =	vst v5;
	v5 =	vand.u32 $0x1FFFFFF, v7;
	v4 =	vld [tilespmem:s8+$0x60]  }
0xb1: {  	v6 =	vld [tilespmem:s1+$0x70];
	[tilespmem:s8+$0x8010] =	vst v5;
	v3 =	vand.u32 $0x1FFFFFF, v3  }
0xb2: {  	v5 =	vld [tilespmem:s1+$0x0];
	[tilespmem:s8+$0x8020] =	vst v3;
	v2 =	vand.u32 $0x1FFFFFF, v2  }
0xb3: {  	v3 =	vld [tilespmem:s1+$0x10];
	[tilespmem:s8+$0x8030] =	vst v2;
	v0 =	vand.u32 $0x1FFFFFF, v0  }
0xb4: {  	v2 =	vld [tilespmem:s1+$0x20];
	[tilespmem:s8+$0x8040] =	vst v0;
	v51 =	vand.u32 $0x1FFFFFF, v1  }
0xb5: {  	v52 =	vld [tilespmem:s1+$0x30];
	[tilespmem:s8+$0x8050] =	vst v51;
	v53 =	vand.u32 $0x1FFFFFF, v4  }
0xb6: {  	v54 =	vld [tilespmem:s1+$0x40];
	[tilespmem:s8+$0x8060] =	vst v53;
	v55 =	vand.u32 $0x1FFFFFF, v6  }
0xb7: {  	v56 =	vld [tilespmem:s1+$0x50];
	v5 =	vand.u32 $0x1FFFFFF, v5;
	[tilespmem:s1+$0x8070] =	vst v55  }
0xb8: {  	v58 =	vld [tilespmem:s1+$0x60];
	[tilespmem:s1+$0x8000] =	vst v5;
	v57 =	vand.u32 $0x1FFFFFF, v3  }
0xb9: {  	[tilespmem:s1+$0x8010] =	vst v57;
	v59 =	vand.u32 $0x1FFFFFF, v2  }
0xba: {  	[tilespmem:s1+$0x8020] =	vst v59;
	v60 =	vand.u32 $0x1FFFFFF, v52  }
0xbb: {  	[tilespmem:s1+$0x8030] =	vst v60;
	v61 =	vand.u32 $0x1FFFFFF, v54  }
0xbc: {  	[tilespmem:s1+$0x8040] =	vst v61;
	v62 =	vand.u32 $0x1FFFFFF, v56  }
0xbd: {  	v63 =	vand.u32 $0x1FFFFFF, v58;
	[tilespmem:s1+$0x8050] =	vst v62  }
0xbe: {  	[tilespmem:s1+$0x8060] =	vst v63  }
0xbf: {  	[tilespmem:s15], [sflag:$0x3] =	stream.indirect.gather [hbm4b:s6+s13], $0x1, s14, s13, $0xb8;
	[tilespmem:$0x18000] =	vst v63  }
0xc0: {  	_ = 	snop  }
0xc1: {  	[tilespmem:s17], [sflag:$0x3] =	stream.indirect.gather [hbm4b:s6+s13], $0x1, s16, s13, $0xb8;
	[tilespmem:$0x18000] =	vst v63  }
.LBB2_12:
0xc2: {  	_ =	swait.ge [sflag:s25], $0x2000  }
0xc3: {  	[sflag:s25] =	ssyncset.done $0x0  }
0xc4: {  	[sflag:s25] =	ssyncadd.s32 $0xFFFFE000  }
0xc5: {  	_ =	swait.ge [sflag:s25], $0x2000  }
0xc6: {  	[sflag:s25] =	ssyncset.done $0x0  }
0xc7: {  	s1 =	simm.s32 $0x0;
	[sflag:s25] =	ssyncadd.s32 $0xFFFFE000  }
0xc8: {  	v6 =	vld [tilespmem:s1+$0x4000]  }
0xc9: {  	v11 =	vld [tilespmem:s1+$0x4010]  }
0xca: {  	v5 =	vld [tilespmem:s1+$0x4020]  }
0xcb: {  	v4 =	vld [tilespmem:s1+$0x4030]  }
0xcc: {  	v3 =	vld [tilespmem:s1+$0x4040]  }
0xcd: {  	v2 =	vld [tilespmem:s1+$0x4050]  }
0xce: {  	v1 =	vld [tilespmem:s1+$0x4060]  }
0xcf: {  	v0 =	vld [tilespmem:s1+$0x4070]  }
0xd0: {  	v10 =	vld [tilespmem:s1+$0x14000]  }
0xd1: {  	v9 =	vld [tilespmem:s1+$0x14010]  }
0xd2: {  	v8 =	vld [tilespmem:s1+$0x14020]  }
0xd3: {  	v7 =	vld [tilespmem:s1+$0x14030];
	v6 =	vshll.u32 v6, $0x6  }
0xd4: {  	s8 =	simm.s32 $0x200;
	v11 =	vshll.u32 v11, $0x6;
	v12 =	vand.u32 $0x80000000, v6;
	v6 =	vld [tilespmem:s1+$0x14040]  }
.LBB2_13:
0xd5: {  	p1 =	sne.s32 s8, $0xFE00;
	v10 =	vxor.u32 v10, v12;
	v11 =	vand.u32 $0x80000000, v11;
	v5 =	vshll.u32 v5, $0x6;
	v12 =	vld [tilespmem:s1+$0x14050]  }
0xd6: {  	v4 =	vshll.u32 v4, $0x6;
	[tilespmem:s1+$0x14000] =	vst v10;
	v9 =	vxor.u32 v9, v11;
	v5 =	vand.u32 $0x80000000, v5;
	v10 =	vld [tilespmem:s1+$0x14060]  }
0xd7: {  	s11 =	sshra.s32 s8, $0x2;
	v3 =	vshll.u32 v3, $0x6;
	v4 =	vand.u32 $0x80000000, v4;
	[tilespmem:s1+$0x14010] =	vst v9;
	v5 =	vxor.u32 v8, v5;
	v8 =	vld [tilespmem:s1+$0x14070]  }
0xd8: {  	v2 =	vshll.u32 v2, $0x6;
	v3 =	vand.u32 $0x80000000, v3;
	v11 =	vld [tilespmem:s11+$0x4000];
	[tilespmem:s1+$0x14020] =	vst v5;
	v4 =	vxor.u32 v7, v4  }
0xd9: {  	v1 =	vshll.u32 v1, $0x6;
	v2 =	vand.u32 $0x80000000, v2;
	v13 =	vld [tilespmem:s11+$0x4010];
	[tilespmem:s1+$0x14030] =	vst v4;
	v3 =	vxor.u32 v6, v3  }
0xda: {  	v0 =	vshll.u32 v0, $0x6;
	v1 =	vand.u32 $0x80000000, v1;
	v5 =	vld [tilespmem:s11+$0x4020];
	[tilespmem:s1+$0x14040] =	vst v3;
	v2 =	vxor.u32 v12, v2  }
0xdb: {  	v0 =	vand.u32 $0x80000000, v0;
	v4 =	vld [tilespmem:s11+$0x4030];
	[tilespmem:s1+$0x14050] =	vst v2;
	v1 =	vxor.u32 v10, v1  }
0xdc: {  	v3 =	vld [tilespmem:s11+$0x4040];
	[tilespmem:s1+$0x14060] =	vst v1;
	v0 =	vxor.u32 v8, v0  }
0xdd: {  	v2 =	vld [tilespmem:s11+$0x4050];
	[tilespmem:s1+$0x14070] =	vst v0;
	s1 =	smov.u32 s11  }
0xde: {  	v1 =	vld [tilespmem:s1+$0x4060]  }
0xdf: {  	v0 =	vld [tilespmem:s1+$0x4070]  }
.Ltmp7:
0xe0: {  	v10 =	vld [tilespmem:s1+$0x14000];
	(pc) =	sbr.rel @p1 .LBB2_13-.Ltmp7, $4  }
0xe1: {  	v9 =	vld [tilespmem:s1+$0x14010]  }
0xe2: {  	v8 =	vld [tilespmem:s1+$0x14020]  }
0xe3: {  	v6 =	vshll.u32 v11, $0x6;
	v7 =	vld [tilespmem:s1+$0x14030]  }
0xe4: {  	s8 =	sadd.s32 $0x200, s8;
	v12 =	vand.u32 $0x80000000, v6;
	v11 =	vshll.u32 v13, $0x6;
	v6 =	vld [tilespmem:s1+$0x14040]  }
0xe5: {  	v10 =	vxor.u32 v10, v12;
	v61 =	vld [tilespmem:s1+$0x14050];
	v11 =	vand.u32 $0x80000000, v11;
	v5 =	vshll.u32 v5, $0x6  }
0xe6: {  	v62 =	vld [tilespmem:s1+$0x14060];
	v4 =	vshll.u32 v4, $0x6;
	[tilespmem:s1+$0x14000] =	vst v10;
	v9 =	vxor.u32 v9, v11;
	v5 =	vand.u32 $0x80000000, v5  }
0xe7: {  	v3 =	vshll.u32 v3, $0x6;
	v63 =	vld [tilespmem:s1+$0x14070];
	v4 =	vand.u32 $0x80000000, v4;
	[tilespmem:s1+$0x14010] =	vst v9;
	v5 =	vxor.u32 v8, v5  }
0xe8: {  	v2 =	vshll.u32 v2, $0x6;
	v3 =	vand.u32 $0x80000000, v3;
	[tilespmem:s1+$0x14020] =	vst v5;
	v4 =	vxor.u32 v7, v4  }
0xe9: {  	v1 =	vshll.u32 v1, $0x6;
	v2 =	vand.u32 $0x80000000, v2;
	[tilespmem:s1+$0x14030] =	vst v4;
	v3 =	vxor.u32 v6, v3  }
.Ltmp8:
0xea: {  	v0 =	vshll.u32 v0, $0x6;
	v1 =	vand.u32 $0x80000000, v1;
	[tilespmem:s1+$0x14040] =	vst v3;
	v2 =	vxor.u32 v61, v2;
	(pc) =	sbr.rel @p0 .LBB2_16-.Ltmp8, $4  }
0xeb: {  	v0 =	vand.u32 $0x80000000, v0;
	v1 =	vxor.u32 v62, v1;
	[tilespmem:s1+$0x14050] =	vst v2  }
0xec: {  	s0 =	sadd.s32 s0, s2;
	v0 =	vxor.u32 v63, v0;
	[tilespmem:s1+$0x14060] =	vst v1  }
0xed: {  	s0 =	sadd.s32 $0x800, s0;
	[tilespmem:s1+$0x14070] =	vst v0  }
0xee: {  	[hbm4b:s0+s3] =	stream.linear.scatter [tilespmem:s21], [sflag:$0x6], $0x4000, $0x38;
	[tilespmem:$0x18000] =	vst v63  }
.Ltmp9:
0xef: {  	(pc) =	sbr.rel .LBB2_4-.Ltmp9, $4  }
0xf0: {  	s0 =	sadd.s32 s31, s10  }
0xf1: {  	s0 =	sshrl.u32 s0, $0x3  }
0xf2: {  	s30 =	sadd.s32 $0x1, s30;
	s0 =	sadd.s32 s5, s0  }
0xf3: {  	[tilespmem:s18], [sflag:$0x2] =	stream.linear.gather [hbm4b:s0+s3], $0x4000, $0x38;
	[tilespmem:$0x18000] =	vst v63  }
.LBB2_17:
0xf4: {  	_ =	sfence.sel $0x180000  }
0xf5: {  	[bflag:$0x0] =	sbarrier.arrive $0xFFFF  }
0xf6: {  	_ =	strace $0x90000047  }
0xf7: {  	s0 =	stileid.u32;
	[bflag:$0x2] =	sbarrier.arrive $0xFFFF  }
0xf8: {  	p0 =	sne.s32 s0, $0x0;
	s0 =	rddreg [dreg:$0x2]  }
0xf9: {  	s0 =	sadd.s32 @!p0 $0x100000, s0  }
0xfa: {  	[sflag:s0] =	ssyncadd.tile.s32 @!p0 $0x1;
	_ =	shalt  }
.Lfunc_end2:
_tile_overlayer_lowered:
.L_overlay_start_2:
0xfb: {  	(tag) =	ssettag $0x2  }
0xfc: {  	s0 =	rddreg [dreg:$0x0];
	s2 =	stileid.u32  }
0xfd: {  	s1 =	rddreg [dreg:$0x1];
	p0 =	sne.s32 s2, $0x0  }
0xfe: {  	s3 =	rddreg [dreg:$0x2];
	[bflag:$0x3] =	sbarrier.arrive $0xFFFF;
	s2 =	simm.s32 @!p0 $0x1C07  }
0xff: {  	[timem:s3], [sflag:s2] =	dma.local @!p0 [hbm:s0], s1  }
0x100: {  	s0 =	simm.s32 @!p0 $0x7  }
0x101: {  	_ =	swait.ge @!p0 [sflag:s0], s1  }
0x102: {  	s1 =	ssub.s32 @!p0 $0x0, s1;
	[sflag:s0] =	ssyncset.done @!p0 $0x0  }
0x103: {  	[sflag:s0] =	ssyncadd.s32 @!p0 s1  }
0x104: {  	[bflag:$0x3] =	sbarrier.arrive $0xFFFF  }
0x105: {  	_ =	shalt  }

</sc_bundles>
